<compile_context>
chip_gen: v7x
topology: tpu7x:2x2x1
jax: 0.10.2.dev20260603
libtpu: 0.0.44.dev20260713+nightly
codegen_flags: <defaults>
</compile_context>

<pallas_src>
import functools

import jax
import jax.numpy as jnp
from jax import lax
from jax.experimental import pallas as pl
from jax.experimental.pallas import tpu as pltpu
from jax.experimental.pallas import tpu_sc as plsc

N = 10000
E = 160000
F = 256
HALF = 128
NACC = 10240
EPAD = 163840
CHUNKS = 80
CHUNK_W = 128
CHUNKS_H = CHUNKS // 2
ROWS_PER_TILE = NACC // 16


def _sc_deg_body(dst_hbm, out_hbm, dstv, degv):
    ci = lax.axis_index("c")
    si = lax.axis_index("s")
    wid = si * 2 + ci
    pltpu.sync_copy(dst_hbm.at[wid], dstv)

    def zero(i, _):
        degv[pl.ds(i * 16, 16)] = jnp.zeros((16,), jnp.float32)
        return 0

    lax.fori_loop(0, NACC // 16, zero, 0)

    ones = jnp.ones((16,), jnp.float32)

    def hist(m, _):
        idx = dstv[pl.ds(m * 16, 16)]
        plsc.addupdate_scatter(degv, [idx], ones)
        return 0

    lax.fori_loop(0, (EPAD // 32) // 16, hist, 0)
    pltpu.sync_copy(degv, out_hbm.at[wid])


def _sc_agg_body(h_hbm, src_hbm, dst_hbm, out_hbm, srcv, dstv, rows0, rows1,
                 acc, gsem0, gsem1, ssem0, ssem1):
    ci = lax.axis_index("c")
    si = lax.axis_index("s")
    r0 = si * ROWS_PER_TILE
    pltpu.sync_copy(
        h_hbm.at[pl.ds(ci * NACC + r0, ROWS_PER_TILE)],
        acc.at[pl.ds(r0, ROWS_PER_TILE)],
    )
    plsc.subcore_barrier()
    pltpu.sync_copy(dst_hbm.at[si], dstv)

    def gather(j, buf, sem):
        pltpu.async_copy(h_hbm.at[srcv.at[j]], buf, sem)

    def drain(buf, sem):
        pltpu.make_async_copy(h_hbm.at[pl.ds(0, CHUNK_W)], buf, sem).wait()

    def scat(j, buf, sem):
        pltpu.async_copy(buf, acc.at[dstv.at[j]], sem, add=True)

    for h0 in range(2):
        pltpu.sync_copy(src_hbm.at[ci, si, h0], srcv)
        base = h0 * CHUNKS_H
        gather(0, rows0, gsem0)
        gather(1, rows1, gsem1)

        def step(g, _):
            j0 = 2 * g
            j1 = j0 + 1
            drain(rows0, gsem0)
            scat(base + j0, rows0, ssem0)
            drain(rows1, gsem1)
            scat(base + j1, rows1, ssem1)
            drain(rows0, ssem0)

            @pl.when(j0 + 2 < CHUNKS_H)
            def _g0():
                gather(j0 + 2, rows0, gsem0)

            drain(rows1, ssem1)

            @pl.when(j1 + 2 < CHUNKS_H)
            def _g1():
                gather(j1 + 2, rows1, gsem1)

            return 0

        lax.fori_loop(0, CHUNKS_H // 2, step, 0)

    plsc.subcore_barrier()
    pltpu.sync_copy(
        acc.at[pl.ds(r0, ROWS_PER_TILE)],
        out_hbm.at[pl.ds(ci * NACC + r0, ROWS_PER_TILE)],
    )


def _make_sc_deg():
    mesh = plsc.VectorSubcoreMesh(core_axis_name="c", subcore_axis_name="s")
    return pl.kernel(
        _sc_deg_body,
        mesh=mesh,
        out_type=jax.ShapeDtypeStruct((32, NACC), jnp.float32),
        scratch_types=[
            pltpu.VMEM((EPAD // 32,), jnp.int32),
            pltpu.VMEM((NACC,), jnp.float32),
        ],
        compiler_params=pltpu.CompilerParams(needs_layout_passes=False),
    )


def _make_sc_agg():
    mesh = plsc.VectorSubcoreMesh(core_axis_name="c", subcore_axis_name="s")
    return pl.kernel(
        _sc_agg_body,
        mesh=mesh,
        out_type=jax.ShapeDtypeStruct((2 * NACC, HALF), jnp.float32),
        scratch_types=[
            pltpu.VMEM((CHUNKS_H, CHUNK_W), jnp.int32),
            pltpu.VMEM((CHUNKS, CHUNK_W), jnp.int32),
            pltpu.VMEM((CHUNK_W, HALF), jnp.float32),
            pltpu.VMEM((CHUNK_W, HALF), jnp.float32),
            pltpu.VMEM_SHARED((NACC, HALF), jnp.float32),
            pltpu.SemaphoreType.DMA,
            pltpu.SemaphoreType.DMA,
            pltpu.SemaphoreType.DMA,
            pltpu.SemaphoreType.DMA,
        ],
        compiler_params=pltpu.CompilerParams(needs_layout_passes=False),
    )


def _dinv_of(deg_parts):
    deg = jnp.sum(deg_parts, axis=0) + 1.0
    return lax.rsqrt(deg)


def _tc1_body(x_ref, deg_ref, w1_ref, o0_ref, o1_ref):
    dinv = _dinv_of(deg_ref[...])
    h = jnp.dot(x_ref[...], w1_ref[...], preferred_element_type=jnp.float32)
    hp = h * dinv[:, None]
    o0_ref[...] = hp[:, :HALF]
    o1_ref[...] = hp[:, HALF:]


def _tc2_body(s0_ref, s1_ref, deg_ref, b1_ref, w2_ref, o0_ref, o1_ref):
    dinv = _dinv_of(deg_ref[...])
    s = jnp.concatenate([s0_ref[...], s1_ref[...]], axis=1)
    h1 = jnp.maximum(s * dinv[:, None] + b1_ref[...], 0.0)
    h2 = jnp.dot(h1, w2_ref[...], preferred_element_type=jnp.float32)
    hp = h2 * dinv[:, None]
    o0_ref[...] = hp[:, :HALF]
    o1_ref[...] = hp[:, HALF:]


def _tc3_body(s0_ref, s1_ref, deg_ref, b2_ref, wp_ref, bp_ref, o_ref):
    dinv = _dinv_of(deg_ref[...])
    s = jnp.concatenate([s0_ref[...], s1_ref[...]], axis=1)
    h2 = s * dinv[:, None] + b2_ref[...]
    logit = jnp.dot(h2, wp_ref[...], preferred_element_type=jnp.float32)
    o_ref[...] = jax.nn.sigmoid(logit + bp_ref[...])


_BN = 1280
_GRID = NACC // _BN


def _row_spec(w):
    return pl.BlockSpec((_BN, w), lambda i: (i, 0))


def _rep_spec(shape):
    return pl.BlockSpec(shape, lambda i: tuple(0 for _ in shape))


def _tc1(x_pad, deg_parts, W1):
    return pl.pallas_call(
        _tc1_body,
        grid=(_GRID,),
        in_specs=[
            _row_spec(F),
            pl.BlockSpec((32, _BN), lambda i: (0, i)),
            _rep_spec((F, F)),
        ],
        out_specs=[_row_spec(HALF), _row_spec(HALF)],
        out_shape=[
            jax.ShapeDtypeStruct((NACC, HALF), jnp.float32),
            jax.ShapeDtypeStruct((NACC, HALF), jnp.float32),
        ],
    )(x_pad, deg_parts, W1)


def _tc2(s0, s1, deg_parts, b1, W2):
    return pl.pallas_call(
        _tc2_body,
        grid=(_GRID,),
        in_specs=[
            _row_spec(HALF),
            _row_spec(HALF),
            pl.BlockSpec((32, _BN), lambda i: (0, i)),
            _rep_spec((1, F)),
            _rep_spec((F, F)),
        ],
        out_specs=[_row_spec(HALF), _row_spec(HALF)],
        out_shape=[
            jax.ShapeDtypeStruct((NACC, HALF), jnp.float32),
            jax.ShapeDtypeStruct((NACC, HALF), jnp.float32),
        ],
    )(s0, s1, deg_parts, b1, W2)


def _tc3(s0, s1, deg_parts, b2, Wp_pad, bp_pad):
    return pl.pallas_call(
        _tc3_body,
        grid=(_GRID,),
        in_specs=[
            _row_spec(HALF),
            _row_spec(HALF),
            pl.BlockSpec((32, _BN), lambda i: (0, i)),
            _rep_spec((1, F)),
            _rep_spec((F, HALF)),
            _rep_spec((1, HALF)),
        ],
        out_specs=_row_spec(HALF),
        out_shape=jax.ShapeDtypeStruct((NACC, HALF), jnp.float32),
    )(s0, s1, deg_parts, b2, Wp_pad, bp_pad)


@jax.jit
def kernel(edge_index, x, W1, b1, W2, b2, Wp, bp):
    src = edge_index[0].astype(jnp.int32)
    dst = edge_index[1].astype(jnp.int32)
    pad = EPAD - E
    src_p = jnp.concatenate([src, jnp.zeros((pad,), jnp.int32)])
    dst_p = jnp.concatenate([dst, jnp.full((pad,), NACC - 1, jnp.int32)])

    dst_flat = dst_p.reshape(32, EPAD // 32)
    src_rs = src_p.reshape(16, 2, CHUNKS_H, CHUNK_W)
    dst_rs = dst_p.reshape(16, CHUNKS, CHUNK_W)
    src_off = jnp.stack([src_rs, src_rs + NACC])

    x_pad = jnp.pad(x, ((0, NACC - N), (0, 0)))
    b1r = b1.reshape(1, F)
    b2r = b2.reshape(1, F)
    Wp_pad = jnp.pad(Wp, ((0, 0), (0, HALF - Wp.shape[1])))
    bp_pad = jnp.broadcast_to(bp.reshape(1, 1), (1, HALF))

    deg_parts = _make_sc_deg()(dst_flat)

    o0, o1 = _tc1(x_pad, deg_parts, W1)
    h1 = jnp.concatenate([o0, o1], axis=0)
    s1 = _make_sc_agg()(h1, src_off, dst_rs)

    o0, o1 = _tc2(s1[:NACC], s1[NACC:], deg_parts, b1r, W2)
    h2 = jnp.concatenate([o0, o1], axis=0)
    s2 = _make_sc_agg()(h2, src_off, dst_rs)

    out = _tc3(s2[:NACC], s2[NACC:], deg_parts, b2r, Wp_pad, bp_pad)
    return out[:N, :1]

# --- scband reference (transcript-rebuilt; emitter-appended) ---
"""Pipeline reference for scband-gcn-45827301048626 (READ-ONLY COPY).

The authoritative reference and input builder live on the scoring server;
editing this copy changes nothing except your own understanding.
"""

import jax, jax.numpy as jnp
import numpy as np

N = 10000
E = 160000
F_IN = 256
H = 256


def setup_inputs(seed: int = 0) -> dict:
    key = jax.random.key(seed)
    k = jax.random.split(key, 8)
    x = jax.random.normal(k[0], (N, F_IN), dtype=jnp.float32)
    edge_index = jax.random.randint(k[1], (2, E), 0, N, dtype=jnp.int64)
    W1 = jax.random.normal(k[2], (F_IN, H), dtype=jnp.float32) * 0.05
    b1 = jnp.zeros((H,), dtype=jnp.float32)
    W2 = jax.random.normal(k[3], (H, H), dtype=jnp.float32) * 0.05
    b2 = jnp.zeros((H,), dtype=jnp.float32)
    Wp = jax.random.normal(k[4], (H, 1), dtype=jnp.float32) * 0.05
    bp = jnp.zeros((1,), dtype=jnp.float32)
    return {"edge_index": edge_index, "x": x, "W1": W1, "b1": b1, "W2": W2, "b2": b2, "Wp": Wp, "bp": bp}


def _gcn_norm(edge_index, n_nodes, dtype):
    # add self-loops, compute symmetric normalization (GCNConv default)
    loop = jnp.arange(n_nodes, dtype=edge_index.dtype)
    src = jnp.concatenate([edge_index[0], loop])
    dst = jnp.concatenate([edge_index[1], loop])
    deg = jax.ops.segment_sum(jnp.ones_like(src, dtype=dtype), dst, num_segments=n_nodes)
    dinv = jnp.where(deg > 0, 1.0 / jnp.sqrt(deg), 0.0)
    norm = dinv[src] * dinv[dst]
    return src, dst, norm


def _gcn_conv(x, src, dst, norm, W, b, n_nodes):
    h = x @ W
    msg = h[src] * norm[:, None]
    agg = jax.ops.segment_sum(msg, dst, num_segments=n_nodes)
    return agg + b


def reference(edge_index, x, W1, b1, W2, b2, Wp, bp):
    n_nodes = x.shape[0]
    src, dst, norm = _gcn_norm(edge_index, n_nodes, x.dtype)
    h = _gcn_conv(x, src, dst, norm, W1, b1, n_nodes)
    h = jax.nn.relu(h)
    # dropout is identity in eval mode
    h = _gcn_conv(h, src, dst, norm, W2, b2, n_nodes)
    out = jax.nn.sigmoid(h @ Wp + bp)
    return out

if __name__ == "__main__":
    import jax
    _d = setup_inputs()
    print(jax.jit(kernel)(*tuple(_d.values())))

</pallas_src>

<mosaic_0001>
#map = affine_map<(d0, d1) -> (0, 0)>
#map1 = affine_map<(d0, d1) -> (0, 0, 0, 0, 0)>
#map2 = affine_map<(d0, d1) -> (0, 0, 0)>
module attributes {stable_mosaic.version = 14 : i64} {
  func.func @_sc_agg_body(%arg0: i32, %arg1: i32, %arg2: memref<20480x128xf32, #tpu.memory_space<hbm>>, %arg3: memref<2x16x2x40x128xi32, #tpu.memory_space<hbm>>, %arg4: memref<16x80x128xi32, #tpu.memory_space<hbm>>, %arg5: memref<20480x128xf32, #tpu.memory_space<hbm>>, %arg6: memref<40x128xi32, #tpu.memory_space<vmem>>, %arg7: memref<80x128xi32, #tpu.memory_space<vmem>>, %arg8: memref<128x128xf32, #tpu.memory_space<vmem>>, %arg9: memref<128x128xf32, #tpu.memory_space<vmem>>, %arg10: memref<10240x128xf32, #tpu.memory_space<vmem_shared>>, %arg11: memref<!tpu.dma_semaphore, #tpu.memory_space<semaphore_mem>>, %arg12: memref<!tpu.dma_semaphore, #tpu.memory_space<semaphore_mem>>, %arg13: memref<!tpu.dma_semaphore, #tpu.memory_space<semaphore_mem>>, %arg14: memref<!tpu.dma_semaphore, #tpu.memory_space<semaphore_mem>>) attributes {dimension_semantics = [#tpu.dimension_semantics<core_parallel>, #tpu.dimension_semantics<subcore_parallel>], iteration_bounds = array<i64: 2, 16>, scalar_prefetch = 0 : i64, scratch_operands = 9 : i64, tpu.core_type = #tpu.core_type<sc_vector_subcore>, window_params = [{transform_indices = #map}, {transform_indices = #map1}, {transform_indices = #map2}, {transform_indices = #map}]} {
    %mul3A = arith.constant 640 : i32
    %mul3A_0 = arith.muli %arg1, %mul3A : i32
    %mul3A_1 = arith.constant 10240 : i32
    %mul3A_2 = arith.muli %arg0, %mul3A_1 : i32
    %add3A = arith.addi %mul3A_2, %mul3A_0 : i32
    "tpu.region"() ({
      %run_scoped3A_48 = tpu.sem_alloc : memref<!tpu.dma_semaphore, #tpu.memory_space<semaphore_mem>>
      %dma_start3A_49 = arith.constant 0 : i32
      %dma_start3A_50 = tpu.memref_slice %arg10[%mul3A_0, %dma_start3A_49] : memref<10240x128xf32, #tpu.memory_space<vmem_shared>> -> memref<640x128xf32, #tpu.memory_space<vmem_shared>>
      %dma_start3A_51 = arith.constant 0 : i32
      %dma_start3A_52 = tpu.memref_slice %arg2[%add3A, %dma_start3A_51] : memref<20480x128xf32, #tpu.memory_space<hbm>> -> memref<640x128xf32, #tpu.memory_space<hbm>>
      tpu.enqueue_dma source(%dma_start3A_52 : memref<640x128xf32, #tpu.memory_space<hbm>>) target(%dma_start3A_50 : memref<640x128xf32, #tpu.memory_space<vmem_shared>>) target_semaphore(%run_scoped3A_48 : memref<!tpu.dma_semaphore, #tpu.memory_space<semaphore_mem>>)
      %dma_wait3A = arith.constant 0 : i32
      %dma_wait3A_53 = tpu.memref_slice %arg10[%mul3A_0, %dma_wait3A] : memref<10240x128xf32, #tpu.memory_space<vmem_shared>> -> memref<640x128xf32, #tpu.memory_space<vmem_shared>>
      %dma_wait3A_54 = arith.constant 0 : i32
      %dma_wait3A_55 = tpu.memref_slice %arg2[%add3A, %dma_wait3A_54] : memref<20480x128xf32, #tpu.memory_space<hbm>> -> memref<640x128xf32, #tpu.memory_space<hbm>>
      tpu.wait_dma2 semaphore(%run_scoped3A_48 : memref<!tpu.dma_semaphore, #tpu.memory_space<semaphore_mem>>) src(%dma_wait3A_55 : memref<640x128xf32, #tpu.memory_space<hbm>>) dst(%dma_wait3A_53 : memref<640x128xf32, #tpu.memory_space<vmem_shared>>)
      tpu.yield
    }) : () -> ()
    %barrier3A = arith.constant 0 : index
    tpu.barrier barrier_id(%barrier3A)
    "tpu.region"() ({
      %run_scoped3A_48 = tpu.sem_alloc : memref<!tpu.dma_semaphore, #tpu.memory_space<semaphore_mem>>
      %dma_start3A_49 = arith.constant 0 : i32
      %dma_start3A_50 = arith.constant 0 : i32
      %dma_start3A_51 = tpu.memref_slice %arg4[%arg1, %dma_start3A_49, %dma_start3A_50] : memref<16x80x128xi32, #tpu.memory_space<hbm>> -> memref<1x80x128xi32, #tpu.memory_space<hbm>>
      %dma_start3A_52 = tpu.memref_squeeze %dma_start3A_51 : memref<1x80x128xi32, #tpu.memory_space<hbm>> -> memref<80x128xi32, #tpu.memory_space<hbm>>
      %dma_start3A_53 = arith.constant 0 : i32
      %dma_start3A_54 = arith.constant 0 : i32
      %dma_start3A_55 = tpu.memref_slice %arg4[%arg1, %dma_start3A_53, %dma_start3A_54] : memref<16x80x128xi32, #tpu.memory_space<hbm>> -> memref<1x80x128xi32, #tpu.memory_space<hbm>>
      %dma_start3A_56 = tpu.memref_squeeze %dma_start3A_55 : memref<1x80x128xi32, #tpu.memory_space<hbm>> -> memref<80x128xi32, #tpu.memory_space<hbm>>
      tpu.enqueue_dma source(%dma_start3A_56 : memref<80x128xi32, #tpu.memory_space<hbm>>) target(%arg7 : memref<80x128xi32, #tpu.memory_space<vmem>>) target_semaphore(%run_scoped3A_48 : memref<!tpu.dma_semaphore, #tpu.memory_space<semaphore_mem>>)
      %dma_wait3A = arith.constant 0 : i32
      %dma_wait3A_57 = arith.constant 0 : i32
      %dma_wait3A_58 = tpu.memref_slice %arg4[%arg1, %dma_wait3A, %dma_wait3A_57] : memref<16x80x128xi32, #tpu.memory_space<hbm>> -> memref<1x80x128xi32, #tpu.memory_space<hbm>>
      %dma_wait3A_59 = tpu.memref_squeeze %dma_wait3A_58 : memref<1x80x128xi32, #tpu.memory_space<hbm>> -> memref<80x128xi32, #tpu.memory_space<hbm>>
      %dma_wait3A_60 = arith.constant 0 : i32
      %dma_wait3A_61 = arith.constant 0 : i32
      %dma_wait3A_62 = tpu.memref_slice %arg4[%arg1, %dma_wait3A_60, %dma_wait3A_61] : memref<16x80x128xi32, #tpu.memory_space<hbm>> -> memref<1x80x128xi32, #tpu.memory_space<hbm>>
      %dma_wait3A_63 = tpu.memref_squeeze %dma_wait3A_62 : memref<1x80x128xi32, #tpu.memory_space<hbm>> -> memref<80x128xi32, #tpu.memory_space<hbm>>
      tpu.wait_dma2 semaphore(%run_scoped3A_48 : memref<!tpu.dma_semaphore, #tpu.memory_space<semaphore_mem>>) src(%dma_wait3A_63 : memref<80x128xi32, #tpu.memory_space<hbm>>) dst(%arg7 : memref<80x128xi32, #tpu.memory_space<vmem>>)
      tpu.yield
    }) : () -> ()
    %run_scoped3A = arith.constant 0 : i32
    "tpu.region"() ({
      %run_scoped3A_48 = tpu.sem_alloc : memref<!tpu.dma_semaphore, #tpu.memory_space<semaphore_mem>>
      %dma_start3A_49 = arith.constant 0 : i32
      %dma_start3A_50 = arith.constant 0 : i32
      %dma_start3A_51 = tpu.memref_slice %arg3[%arg0, %arg1, %run_scoped3A, %dma_start3A_49, %dma_start3A_50] : memref<2x16x2x40x128xi32, #tpu.memory_space<hbm>> -> memref<1x1x1x40x128xi32, #tpu.memory_space<hbm>>
      %dma_start3A_52 = tpu.memref_squeeze %dma_start3A_51 : memref<1x1x1x40x128xi32, #tpu.memory_space<hbm>> -> memref<40x128xi32, #tpu.memory_space<hbm>>
      %dma_start3A_53 = arith.constant 0 : i32
      %dma_start3A_54 = arith.constant 0 : i32
      %dma_start3A_55 = tpu.memref_slice %arg3[%arg0, %arg1, %run_scoped3A, %dma_start3A_53, %dma_start3A_54] : memref<2x16x2x40x128xi32, #tpu.memory_space<hbm>> -> memref<1x1x1x40x128xi32, #tpu.memory_space<hbm>>
      %dma_start3A_56 = tpu.memref_squeeze %dma_start3A_55 : memref<1x1x1x40x128xi32, #tpu.memory_space<hbm>> -> memref<40x128xi32, #tpu.memory_space<hbm>>
      tpu.enqueue_dma source(%dma_start3A_56 : memref<40x128xi32, #tpu.memory_space<hbm>>) target(%arg6 : memref<40x128xi32, #tpu.memory_space<vmem>>) target_semaphore(%run_scoped3A_48 : memref<!tpu.dma_semaphore, #tpu.memory_space<semaphore_mem>>)
      %dma_wait3A = arith.constant 0 : i32
      %dma_wait3A_57 = arith.constant 0 : i32
      %dma_wait3A_58 = tpu.memref_slice %arg3[%arg0, %arg1, %run_scoped3A, %dma_wait3A, %dma_wait3A_57] : memref<2x16x2x40x128xi32, #tpu.memory_space<hbm>> -> memref<1x1x1x40x128xi32, #tpu.memory_space<hbm>>
      %dma_wait3A_59 = tpu.memref_squeeze %dma_wait3A_58 : memref<1x1x1x40x128xi32, #tpu.memory_space<hbm>> -> memref<40x128xi32, #tpu.memory_space<hbm>>
      %dma_wait3A_60 = arith.constant 0 : i32
      %dma_wait3A_61 = arith.constant 0 : i32
      %dma_wait3A_62 = tpu.memref_slice %arg3[%arg0, %arg1, %run_scoped3A, %dma_wait3A_60, %dma_wait3A_61] : memref<2x16x2x40x128xi32, #tpu.memory_space<hbm>> -> memref<1x1x1x40x128xi32, #tpu.memory_space<hbm>>
      %dma_wait3A_63 = tpu.memref_squeeze %dma_wait3A_62 : memref<1x1x1x40x128xi32, #tpu.memory_space<hbm>> -> memref<40x128xi32, #tpu.memory_space<hbm>>
      tpu.wait_dma2 semaphore(%run_scoped3A_48 : memref<!tpu.dma_semaphore, #tpu.memory_space<semaphore_mem>>) src(%dma_wait3A_63 : memref<40x128xi32, #tpu.memory_space<hbm>>) dst(%arg6 : memref<40x128xi32, #tpu.memory_space<vmem>>)
      tpu.yield
    }) : () -> ()
    %dma_start3A = arith.constant 0 : i32
    %dma_start3A_3 = arith.constant 0 : i32
    %dma_start3A_4 = tpu.memref_slice %arg6[%dma_start3A, %dma_start3A_3] : memref<40x128xi32, #tpu.memory_space<vmem>> -> memref<1x128xi32, #tpu.memory_space<vmem>>
    %dma_start3A_5 = tpu.memref_squeeze %dma_start3A_4 : memref<1x128xi32, #tpu.memory_space<vmem>> -> memref<128xi32, #tpu.memory_space<vmem>>
    %dma_start3A_6 = arith.constant 0 : i32
    %dma_start3A_7 = arith.constant 0 : i32
    %dma_start3A_8 = tpu.memref_slice %arg2[%dma_start3A_6, %dma_start3A_7] : memref<20480x128xf32, #tpu.memory_space<hbm>> -> memref<20480x128xf32, #tpu.memory_space<hbm>>
    tpu.enqueue_indirect_dma source(%dma_start3A_8 : memref<20480x128xf32, #tpu.memory_space<hbm>>) target(%arg8 : memref<128x128xf32, #tpu.memory_space<vmem>>) offsets(%dma_start3A_5 : memref<128xi32, #tpu.memory_space<vmem>>) semaphore(%arg11 : memref<!tpu.dma_semaphore, #tpu.memory_space<semaphore_mem>>)
    %dma_start3A_9 = arith.constant 1 : i32
    %dma_start3A_10 = arith.constant 0 : i32
    %dma_start3A_11 = tpu.memref_slice %arg6[%dma_start3A_9, %dma_start3A_10] : memref<40x128xi32, #tpu.memory_space<vmem>> -> memref<1x128xi32, #tpu.memory_space<vmem>>
    %dma_start3A_12 = tpu.memref_squeeze %dma_start3A_11 : memref<1x128xi32, #tpu.memory_space<vmem>> -> memref<128xi32, #tpu.memory_space<vmem>>
    %dma_start3A_13 = arith.constant 0 : i32
    %dma_start3A_14 = arith.constant 0 : i32
    %dma_start3A_15 = tpu.memref_slice %arg2[%dma_start3A_13, %dma_start3A_14] : memref<20480x128xf32, #tpu.memory_space<hbm>> -> memref<20480x128xf32, #tpu.memory_space<hbm>>
    tpu.enqueue_indirect_dma source(%dma_start3A_15 : memref<20480x128xf32, #tpu.memory_space<hbm>>) target(%arg9 : memref<128x128xf32, #tpu.memory_space<vmem>>) offsets(%dma_start3A_12 : memref<128xi32, #tpu.memory_space<vmem>>) semaphore(%arg12 : memref<!tpu.dma_semaphore, #tpu.memory_space<semaphore_mem>>)
    %scan3A = arith.constant 0 : i32
    %scan3A_16 = arith.constant 0 : i32
    %scan3A_17 = arith.constant 20 : i32
    %scan3A_18 = arith.addi %scan3A_16, %scan3A_17 : i32
    %scan3A_19 = arith.constant 1 : i32
    %scan3A_20 = scf.for %scan3A_48 = %scan3A_16 to %scan3A_18 step %scan3A_19 iter_args(%scan3A_49 = %scan3A) -> (i32)  : i32 {
      %mul3A_50 = arith.constant 2 : i32
      %mul3A_51 = arith.muli %mul3A_50, %scan3A_48 : i32
      %add3A_52 = arith.constant 1 : i32
      %add3A_53 = arith.addi %mul3A_51, %add3A_52 : i32
      %dma_wait3A = arith.constant 0 : i32
      %dma_wait3A_54 = arith.constant 0 : i32
      %dma_wait3A_55 = tpu.memref_slice %arg2[%dma_wait3A, %dma_wait3A_54] : memref<20480x128xf32, #tpu.memory_space<hbm>> -> memref<128x128xf32, #tpu.memory_space<hbm>>
      %dma_wait3A_56 = arith.constant 0 : i32
      %dma_wait3A_57 = arith.constant 0 : i32
      %dma_wait3A_58 = tpu.memref_slice %arg2[%dma_wait3A_56, %dma_wait3A_57] : memref<20480x128xf32, #tpu.memory_space<hbm>> -> memref<128x128xf32, #tpu.memory_space<hbm>>
      tpu.wait_dma2 semaphore(%arg11 : memref<!tpu.dma_semaphore, #tpu.memory_space<semaphore_mem>>) src(%dma_wait3A_58 : memref<128x128xf32, #tpu.memory_space<hbm>>) dst(%arg8 : memref<128x128xf32, #tpu.memory_space<vmem>>)
      %add3A_59 = arith.constant 0 : i32
      %add3A_60 = arith.addi %add3A_59, %mul3A_51 : i32
      %dma_start3A_61 = arith.constant 0 : i32
      %dma_start3A_62 = tpu.memref_slice %arg7[%add3A_60, %dma_start3A_61] : memref<80x128xi32, #tpu.memory_space<vmem>> -> memref<1x128xi32, #tpu.memory_space<vmem>>
      %dma_start3A_63 = tpu.memref_squeeze %dma_start3A_62 : memref<1x128xi32, #tpu.memory_space<vmem>> -> memref<128xi32, #tpu.memory_space<vmem>>
      %dma_start3A_64 = arith.constant 0 : i32
      %dma_start3A_65 = arith.constant 0 : i32
      %dma_start3A_66 = tpu.memref_slice %arg10[%dma_start3A_64, %dma_start3A_65] : memref<10240x128xf32, #tpu.memory_space<vmem_shared>> -> memref<10240x128xf32, #tpu.memory_space<vmem_shared>>
      tpu.enqueue_indirect_dma source(%arg8 : memref<128x128xf32, #tpu.memory_space<vmem>>) target(%dma_start3A_66 : memref<10240x128xf32, #tpu.memory_space<vmem_shared>>) offsets(%dma_start3A_63 : memref<128xi32, #tpu.memory_space<vmem>>) semaphore(%arg13 : memref<!tpu.dma_semaphore, #tpu.memory_space<semaphore_mem>>) {add = true}
      %dma_wait3A_67 = arith.constant 0 : i32
      %dma_wait3A_68 = arith.constant 0 : i32
      %dma_wait3A_69 = tpu.memref_slice %arg2[%dma_wait3A_67, %dma_wait3A_68] : memref<20480x128xf32, #tpu.memory_space<hbm>> -> memref<128x128xf32, #tpu.memory_space<hbm>>
      %dma_wait3A_70 = arith.constant 0 : i32
      %dma_wait3A_71 = arith.constant 0 : i32
      %dma_wait3A_72 = tpu.memref_slice %arg2[%dma_wait3A_70, %dma_wait3A_71] : memref<20480x128xf32, #tpu.memory_space<hbm>> -> memref<128x128xf32, #tpu.memory_space<hbm>>
      tpu.wait_dma2 semaphore(%arg12 : memref<!tpu.dma_semaphore, #tpu.memory_space<semaphore_mem>>) src(%dma_wait3A_72 : memref<128x128xf32, #tpu.memory_space<hbm>>) dst(%arg9 : memref<128x128xf32, #tpu.memory_space<vmem>>)
      %add3A_73 = arith.constant 0 : i32
      %add3A_74 = arith.addi %add3A_73, %add3A_53 : i32
      %dma_start3A_75 = arith.constant 0 : i32
      %dma_start3A_76 = tpu.memref_slice %arg7[%add3A_74, %dma_start3A_75] : memref<80x128xi32, #tpu.memory_space<vmem>> -> memref<1x128xi32, #tpu.memory_space<vmem>>
      %dma_start3A_77 = tpu.memref_squeeze %dma_start3A_76 : memref<1x128xi32, #tpu.memory_space<vmem>> -> memref<128xi32, #tpu.memory_space<vmem>>
      %dma_start3A_78 = arith.constant 0 : i32
      %dma_start3A_79 = arith.constant 0 : i32
      %dma_start3A_80 = tpu.memref_slice %arg10[%dma_start3A_78, %dma_start3A_79] : memref<10240x128xf32, #tpu.memory_space<vmem_shared>> -> memref<10240x128xf32, #tpu.memory_space<vmem_shared>>
      tpu.enqueue_indirect_dma source(%arg9 : memref<128x128xf32, #tpu.memory_space<vmem>>) target(%dma_start3A_80 : memref<10240x128xf32, #tpu.memory_space<vmem_shared>>) offsets(%dma_start3A_77 : memref<128xi32, #tpu.memory_space<vmem>>) semaphore(%arg14 : memref<!tpu.dma_semaphore, #tpu.memory_space<semaphore_mem>>) {add = true}
      %dma_wait3A_81 = arith.constant 0 : i32
      %dma_wait3A_82 = arith.constant 0 : i32
      %dma_wait3A_83 = tpu.memref_slice %arg2[%dma_wait3A_81, %dma_wait3A_82] : memref<20480x128xf32, #tpu.memory_space<hbm>> -> memref<128x128xf32, #tpu.memory_space<hbm>>
      %dma_wait3A_84 = arith.constant 0 : i32
      %dma_wait3A_85 = arith.constant 0 : i32
      %dma_wait3A_86 = tpu.memref_slice %arg2[%dma_wait3A_84, %dma_wait3A_85] : memref<20480x128xf32, #tpu.memory_space<hbm>> -> memref<128x128xf32, #tpu.memory_space<hbm>>
      tpu.wait_dma2 semaphore(%arg13 : memref<!tpu.dma_semaphore, #tpu.memory_space<semaphore_mem>>) src(%dma_wait3A_86 : memref<128x128xf32, #tpu.memory_space<hbm>>) dst(%arg8 : memref<128x128xf32, #tpu.memory_space<vmem>>)
      %add3A_87 = arith.constant 2 : i32
      %add3A_88 = arith.addi %mul3A_51, %add3A_87 : i32
      %lt3A = arith.constant 40 : i32
      %lt3A_89 = arith.cmpi slt, %add3A_88, %lt3A : i32
      %convert_element_type3A = arith.extui %lt3A_89 : i1 to i32
      %cond3A = arith.constant 0 : i32
      %cond3A_90 = arith.cmpi ne, %convert_element_type3A, %cond3A : i32
      scf.if %cond3A_90 {
        %add3A_105 = arith.constant 2 : i32
        %add3A_106 = arith.addi %mul3A_51, %add3A_105 : i32
        %dma_start3A_107 = arith.constant 0 : i32
        %dma_start3A_108 = tpu.memref_slice %arg6[%add3A_106, %dma_start3A_107] : memref<40x128xi32, #tpu.memory_space<vmem>> -> memref<1x128xi32, #tpu.memory_space<vmem>>
        %dma_start3A_109 = tpu.memref_squeeze %dma_start3A_108 : memref<1x128xi32, #tpu.memory_space<vmem>> -> memref<128xi32, #tpu.memory_space<vmem>>
        %dma_start3A_110 = arith.constant 0 : i32
        %dma_start3A_111 = arith.constant 0 : i32
        %dma_start3A_112 = tpu.memref_slice %arg2[%dma_start3A_110, %dma_start3A_111] : memref<20480x128xf32, #tpu.memory_space<hbm>> -> memref<20480x128xf32, #tpu.memory_space<hbm>>
        tpu.enqueue_indirect_dma source(%dma_start3A_112 : memref<20480x128xf32, #tpu.memory_space<hbm>>) target(%arg8 : memref<128x128xf32, #tpu.memory_space<vmem>>) offsets(%dma_start3A_109 : memref<128xi32, #tpu.memory_space<vmem>>) semaphore(%arg11 : memref<!tpu.dma_semaphore, #tpu.memory_space<semaphore_mem>>)
      } else {
      }
      %dma_wait3A_91 = arith.constant 0 : i32
      %dma_wait3A_92 = arith.constant 0 : i32
      %dma_wait3A_93 = tpu.memref_slice %arg2[%dma_wait3A_91, %dma_wait3A_92] : memref<20480x128xf32, #tpu.memory_space<hbm>> -> memref<128x128xf32, #tpu.memory_space<hbm>>
      %dma_wait3A_94 = arith.constant 0 : i32
      %dma_wait3A_95 = arith.constant 0 : i32
      %dma_wait3A_96 = tpu.memref_slice %arg2[%dma_wait3A_94, %dma_wait3A_95] : memref<20480x128xf32, #tpu.memory_space<hbm>> -> memref<128x128xf32, #tpu.memory_space<hbm>>
      tpu.wait_dma2 semaphore(%arg14 : memref<!tpu.dma_semaphore, #tpu.memory_space<semaphore_mem>>) src(%dma_wait3A_96 : memref<128x128xf32, #tpu.memory_space<hbm>>) dst(%arg9 : memref<128x128xf32, #tpu.memory_space<vmem>>)
      %add3A_97 = arith.constant 2 : i32
      %add3A_98 = arith.addi %add3A_53, %add3A_97 : i32
      %lt3A_99 = arith.constant 40 : i32
      %lt3A_100 = arith.cmpi slt, %add3A_98, %lt3A_99 : i32
      %convert_element_type3A_101 = arith.extui %lt3A_100 : i1 to i32
      %cond3A_102 = arith.constant 0 : i32
      %cond3A_103 = arith.cmpi ne, %convert_element_type3A_101, %cond3A_102 : i32
      scf.if %cond3A_103 {
        %add3A_105 = arith.constant 2 : i32
        %add3A_106 = arith.addi %add3A_53, %add3A_105 : i32
        %dma_start3A_107 = arith.constant 0 : i32
        %dma_start3A_108 = tpu.memref_slice %arg6[%add3A_106, %dma_start3A_107] : memref<40x128xi32, #tpu.memory_space<vmem>> -> memref<1x128xi32, #tpu.memory_space<vmem>>
        %dma_start3A_109 = tpu.memref_squeeze %dma_start3A_108 : memref<1x128xi32, #tpu.memory_space<vmem>> -> memref<128xi32, #tpu.memory_space<vmem>>
        %dma_start3A_110 = arith.constant 0 : i32
        %dma_start3A_111 = arith.constant 0 : i32
        %dma_start3A_112 = tpu.memref_slice %arg2[%dma_start3A_110, %dma_start3A_111] : memref<20480x128xf32, #tpu.memory_space<hbm>> -> memref<20480x128xf32, #tpu.memory_space<hbm>>
        tpu.enqueue_indirect_dma source(%dma_start3A_112 : memref<20480x128xf32, #tpu.memory_space<hbm>>) target(%arg9 : memref<128x128xf32, #tpu.memory_space<vmem>>) offsets(%dma_start3A_109 : memref<128xi32, #tpu.memory_space<vmem>>) semaphore(%arg12 : memref<!tpu.dma_semaphore, #tpu.memory_space<semaphore_mem>>)
      } else {
      }
      %scan3A_104 = arith.constant 0 : i32
      scf.yield %scan3A_104 : i32
    }
    %scan3A_21 = arith.constant 20 : i32
    %run_scoped3A_22 = arith.constant 1 : i32
    "tpu.region"() ({
      %run_scoped3A_48 = tpu.sem_alloc : memref<!tpu.dma_semaphore, #tpu.memory_space<semaphore_mem>>
      %dma_start3A_49 = arith.constant 0 : i32
      %dma_start3A_50 = arith.constant 0 : i32
      %dma_start3A_51 = tpu.memref_slice %arg3[%arg0, %arg1, %run_scoped3A_22, %dma_start3A_49, %dma_start3A_50] : memref<2x16x2x40x128xi32, #tpu.memory_space<hbm>> -> memref<1x1x1x40x128xi32, #tpu.memory_space<hbm>>
      %dma_start3A_52 = tpu.memref_squeeze %dma_start3A_51 : memref<1x1x1x40x128xi32, #tpu.memory_space<hbm>> -> memref<40x128xi32, #tpu.memory_space<hbm>>
      %dma_start3A_53 = arith.constant 0 : i32
      %dma_start3A_54 = arith.constant 0 : i32
      %dma_start3A_55 = tpu.memref_slice %arg3[%arg0, %arg1, %run_scoped3A_22, %dma_start3A_53, %dma_start3A_54] : memref<2x16x2x40x128xi32, #tpu.memory_space<hbm>> -> memref<1x1x1x40x128xi32, #tpu.memory_space<hbm>>
      %dma_start3A_56 = tpu.memref_squeeze %dma_start3A_55 : memref<1x1x1x40x128xi32, #tpu.memory_space<hbm>> -> memref<40x128xi32, #tpu.memory_space<hbm>>
      tpu.enqueue_dma source(%dma_start3A_56 : memref<40x128xi32, #tpu.memory_space<hbm>>) target(%arg6 : memref<40x128xi32, #tpu.memory_space<vmem>>) target_semaphore(%run_scoped3A_48 : memref<!tpu.dma_semaphore, #tpu.memory_space<semaphore_mem>>)
      %dma_wait3A = arith.constant 0 : i32
      %dma_wait3A_57 = arith.constant 0 : i32
      %dma_wait3A_58 = tpu.memref_slice %arg3[%arg0, %arg1, %run_scoped3A_22, %dma_wait3A, %dma_wait3A_57] : memref<2x16x2x40x128xi32, #tpu.memory_space<hbm>> -> memref<1x1x1x40x128xi32, #tpu.memory_space<hbm>>
      %dma_wait3A_59 = tpu.memref_squeeze %dma_wait3A_58 : memref<1x1x1x40x128xi32, #tpu.memory_space<hbm>> -> memref<40x128xi32, #tpu.memory_space<hbm>>
      %dma_wait3A_60 = arith.constant 0 : i32
      %dma_wait3A_61 = arith.constant 0 : i32
      %dma_wait3A_62 = tpu.memref_slice %arg3[%arg0, %arg1, %run_scoped3A_22, %dma_wait3A_60, %dma_wait3A_61] : memref<2x16x2x40x128xi32, #tpu.memory_space<hbm>> -> memref<1x1x1x40x128xi32, #tpu.memory_space<hbm>>
      %dma_wait3A_63 = tpu.memref_squeeze %dma_wait3A_62 : memref<1x1x1x40x128xi32, #tpu.memory_space<hbm>> -> memref<40x128xi32, #tpu.memory_space<hbm>>
      tpu.wait_dma2 semaphore(%run_scoped3A_48 : memref<!tpu.dma_semaphore, #tpu.memory_space<semaphore_mem>>) src(%dma_wait3A_63 : memref<40x128xi32, #tpu.memory_space<hbm>>) dst(%arg6 : memref<40x128xi32, #tpu.memory_space<vmem>>)
      tpu.yield
    }) : () -> ()
    %dma_start3A_23 = arith.constant 0 : i32
    %dma_start3A_24 = arith.constant 0 : i32
    %dma_start3A_25 = tpu.memref_slice %arg6[%dma_start3A_23, %dma_start3A_24] : memref<40x128xi32, #tpu.memory_space<vmem>> -> memref<1x128xi32, #tpu.memory_space<vmem>>
    %dma_start3A_26 = tpu.memref_squeeze %dma_start3A_25 : memref<1x128xi32, #tpu.memory_space<vmem>> -> memref<128xi32, #tpu.memory_space<vmem>>
    %dma_start3A_27 = arith.constant 0 : i32
    %dma_start3A_28 = arith.constant 0 : i32
    %dma_start3A_29 = tpu.memref_slice %arg2[%dma_start3A_27, %dma_start3A_28] : memref<20480x128xf32, #tpu.memory_space<hbm>> -> memref<20480x128xf32, #tpu.memory_space<hbm>>
    tpu.enqueue_indirect_dma source(%dma_start3A_29 : memref<20480x128xf32, #tpu.memory_space<hbm>>) target(%arg8 : memref<128x128xf32, #tpu.memory_space<vmem>>) offsets(%dma_start3A_26 : memref<128xi32, #tpu.memory_space<vmem>>) semaphore(%arg11 : memref<!tpu.dma_semaphore, #tpu.memory_space<semaphore_mem>>)
    %dma_start3A_30 = arith.constant 1 : i32
    %dma_start3A_31 = arith.constant 0 : i32
    %dma_start3A_32 = tpu.memref_slice %arg6[%dma_start3A_30, %dma_start3A_31] : memref<40x128xi32, #tpu.memory_space<vmem>> -> memref<1x128xi32, #tpu.memory_space<vmem>>
    %dma_start3A_33 = tpu.memref_squeeze %dma_start3A_32 : memref<1x128xi32, #tpu.memory_space<vmem>> -> memref<128xi32, #tpu.memory_space<vmem>>
    %dma_start3A_34 = arith.constant 0 : i32
    %dma_start3A_35 = arith.constant 0 : i32
    %dma_start3A_36 = tpu.memref_slice %arg2[%dma_start3A_34, %dma_start3A_35] : memref<20480x128xf32, #tpu.memory_space<hbm>> -> memref<20480x128xf32, #tpu.memory_space<hbm>>
    tpu.enqueue_indirect_dma source(%dma_start3A_36 : memref<20480x128xf32, #tpu.memory_space<hbm>>) target(%arg9 : memref<128x128xf32, #tpu.memory_space<vmem>>) offsets(%dma_start3A_33 : memref<128xi32, #tpu.memory_space<vmem>>) semaphore(%arg12 : memref<!tpu.dma_semaphore, #tpu.memory_space<semaphore_mem>>)
    %scan3A_37 = arith.constant 0 : i32
    %scan3A_38 = arith.constant 0 : i32
    %scan3A_39 = arith.constant 20 : i32
    %scan3A_40 = arith.addi %scan3A_38, %scan3A_39 : i32
    %scan3A_41 = arith.constant 1 : i32
    %scan3A_42 = scf.for %scan3A_48 = %scan3A_38 to %scan3A_40 step %scan3A_41 iter_args(%scan3A_49 = %scan3A_37) -> (i32)  : i32 {
      %mul3A_50 = arith.constant 2 : i32
      %mul3A_51 = arith.muli %mul3A_50, %scan3A_48 : i32
      %add3A_52 = arith.constant 1 : i32
      %add3A_53 = arith.addi %mul3A_51, %add3A_52 : i32
      %dma_wait3A = arith.constant 0 : i32
      %dma_wait3A_54 = arith.constant 0 : i32
      %dma_wait3A_55 = tpu.memref_slice %arg2[%dma_wait3A, %dma_wait3A_54] : memref<20480x128xf32, #tpu.memory_space<hbm>> -> memref<128x128xf32, #tpu.memory_space<hbm>>
      %dma_wait3A_56 = arith.constant 0 : i32
      %dma_wait3A_57 = arith.constant 0 : i32
      %dma_wait3A_58 = tpu.memref_slice %arg2[%dma_wait3A_56, %dma_wait3A_57] : memref<20480x128xf32, #tpu.memory_space<hbm>> -> memref<128x128xf32, #tpu.memory_space<hbm>>
      tpu.wait_dma2 semaphore(%arg11 : memref<!tpu.dma_semaphore, #tpu.memory_space<semaphore_mem>>) src(%dma_wait3A_58 : memref<128x128xf32, #tpu.memory_space<hbm>>) dst(%arg8 : memref<128x128xf32, #tpu.memory_space<vmem>>)
      %add3A_59 = arith.constant 40 : i32
      %add3A_60 = arith.addi %add3A_59, %mul3A_51 : i32
      %dma_start3A_61 = arith.constant 0 : i32
      %dma_start3A_62 = tpu.memref_slice %arg7[%add3A_60, %dma_start3A_61] : memref<80x128xi32, #tpu.memory_space<vmem>> -> memref<1x128xi32, #tpu.memory_space<vmem>>
      %dma_start3A_63 = tpu.memref_squeeze %dma_start3A_62 : memref<1x128xi32, #tpu.memory_space<vmem>> -> memref<128xi32, #tpu.memory_space<vmem>>
      %dma_start3A_64 = arith.constant 0 : i32
      %dma_start3A_65 = arith.constant 0 : i32
      %dma_start3A_66 = tpu.memref_slice %arg10[%dma_start3A_64, %dma_start3A_65] : memref<10240x128xf32, #tpu.memory_space<vmem_shared>> -> memref<10240x128xf32, #tpu.memory_space<vmem_shared>>
      tpu.enqueue_indirect_dma source(%arg8 : memref<128x128xf32, #tpu.memory_space<vmem>>) target(%dma_start3A_66 : memref<10240x128xf32, #tpu.memory_space<vmem_shared>>) offsets(%dma_start3A_63 : memref<128xi32, #tpu.memory_space<vmem>>) semaphore(%arg13 : memref<!tpu.dma_semaphore, #tpu.memory_space<semaphore_mem>>) {add = true}
      %dma_wait3A_67 = arith.constant 0 : i32
      %dma_wait3A_68 = arith.constant 0 : i32
      %dma_wait3A_69 = tpu.memref_slice %arg2[%dma_wait3A_67, %dma_wait3A_68] : memref<20480x128xf32, #tpu.memory_space<hbm>> -> memref<128x128xf32, #tpu.memory_space<hbm>>
      %dma_wait3A_70 = arith.constant 0 : i32
      %dma_wait3A_71 = arith.constant 0 : i32
      %dma_wait3A_72 = tpu.memref_slice %arg2[%dma_wait3A_70, %dma_wait3A_71] : memref<20480x128xf32, #tpu.memory_space<hbm>> -> memref<128x128xf32, #tpu.memory_space<hbm>>
      tpu.wait_dma2 semaphore(%arg12 : memref<!tpu.dma_semaphore, #tpu.memory_space<semaphore_mem>>) src(%dma_wait3A_72 : memref<128x128xf32, #tpu.memory_space<hbm>>) dst(%arg9 : memref<128x128xf32, #tpu.memory_space<vmem>>)
      %add3A_73 = arith.constant 40 : i32
      %add3A_74 = arith.addi %add3A_73, %add3A_53 : i32
      %dma_start3A_75 = arith.constant 0 : i32
      %dma_start3A_76 = tpu.memref_slice %arg7[%add3A_74, %dma_start3A_75] : memref<80x128xi32, #tpu.memory_space<vmem>> -> memref<1x128xi32, #tpu.memory_space<vmem>>
      %dma_start3A_77 = tpu.memref_squeeze %dma_start3A_76 : memref<1x128xi32, #tpu.memory_space<vmem>> -> memref<128xi32, #tpu.memory_space<vmem>>
      %dma_start3A_78 = arith.constant 0 : i32
      %dma_start3A_79 = arith.constant 0 : i32
      %dma_start3A_80 = tpu.memref_slice %arg10[%dma_start3A_78, %dma_start3A_79] : memref<10240x128xf32, #tpu.memory_space<vmem_shared>> -> memref<10240x128xf32, #tpu.memory_space<vmem_shared>>
      tpu.enqueue_indirect_dma source(%arg9 : memref<128x128xf32, #tpu.memory_space<vmem>>) target(%dma_start3A_80 : memref<10240x128xf32, #tpu.memory_space<vmem_shared>>) offsets(%dma_start3A_77 : memref<128xi32, #tpu.memory_space<vmem>>) semaphore(%arg14 : memref<!tpu.dma_semaphore, #tpu.memory_space<semaphore_mem>>) {add = true}
      %dma_wait3A_81 = arith.constant 0 : i32
      %dma_wait3A_82 = arith.constant 0 : i32
      %dma_wait3A_83 = tpu.memref_slice %arg2[%dma_wait3A_81, %dma_wait3A_82] : memref<20480x128xf32, #tpu.memory_space<hbm>> -> memref<128x128xf32, #tpu.memory_space<hbm>>
      %dma_wait3A_84 = arith.constant 0 : i32
      %dma_wait3A_85 = arith.constant 0 : i32
      %dma_wait3A_86 = tpu.memref_slice %arg2[%dma_wait3A_84, %dma_wait3A_85] : memref<20480x128xf32, #tpu.memory_space<hbm>> -> memref<128x128xf32, #tpu.memory_space<hbm>>
      tpu.wait_dma2 semaphore(%arg13 : memref<!tpu.dma_semaphore, #tpu.memory_space<semaphore_mem>>) src(%dma_wait3A_86 : memref<128x128xf32, #tpu.memory_space<hbm>>) dst(%arg8 : memref<128x128xf32, #tpu.memory_space<vmem>>)
      %add3A_87 = arith.constant 2 : i32
      %add3A_88 = arith.addi %mul3A_51, %add3A_87 : i32
      %lt3A = arith.constant 40 : i32
      %lt3A_89 = arith.cmpi slt, %add3A_88, %lt3A : i32
      %convert_element_type3A = arith.extui %lt3A_89 : i1 to i32
      %cond3A = arith.constant 0 : i32
      %cond3A_90 = arith.cmpi ne, %convert_element_type3A, %cond3A : i32
      scf.if %cond3A_90 {
        %add3A_105 = arith.constant 2 : i32
        %add3A_106 = arith.addi %mul3A_51, %add3A_105 : i32
        %dma_start3A_107 = arith.constant 0 : i32
        %dma_start3A_108 = tpu.memref_slice %arg6[%add3A_106, %dma_start3A_107] : memref<40x128xi32, #tpu.memory_space<vmem>> -> memref<1x128xi32, #tpu.memory_space<vmem>>
        %dma_start3A_109 = tpu.memref_squeeze %dma_start3A_108 : memref<1x128xi32, #tpu.memory_space<vmem>> -> memref<128xi32, #tpu.memory_space<vmem>>
        %dma_start3A_110 = arith.constant 0 : i32
        %dma_start3A_111 = arith.constant 0 : i32
        %dma_start3A_112 = tpu.memref_slice %arg2[%dma_start3A_110, %dma_start3A_111] : memref<20480x128xf32, #tpu.memory_space<hbm>> -> memref<20480x128xf32, #tpu.memory_space<hbm>>
        tpu.enqueue_indirect_dma source(%dma_start3A_112 : memref<20480x128xf32, #tpu.memory_space<hbm>>) target(%arg8 : memref<128x128xf32, #tpu.memory_space<vmem>>) offsets(%dma_start3A_109 : memref<128xi32, #tpu.memory_space<vmem>>) semaphore(%arg11 : memref<!tpu.dma_semaphore, #tpu.memory_space<semaphore_mem>>)
      } else {
      }
      %dma_wait3A_91 = arith.constant 0 : i32
      %dma_wait3A_92 = arith.constant 0 : i32
      %dma_wait3A_93 = tpu.memref_slice %arg2[%dma_wait3A_91, %dma_wait3A_92] : memref<20480x128xf32, #tpu.memory_space<hbm>> -> memref<128x128xf32, #tpu.memory_space<hbm>>
      %dma_wait3A_94 = arith.constant 0 : i32
      %dma_wait3A_95 = arith.constant 0 : i32
      %dma_wait3A_96 = tpu.memref_slice %arg2[%dma_wait3A_94, %dma_wait3A_95] : memref<20480x128xf32, #tpu.memory_space<hbm>> -> memref<128x128xf32, #tpu.memory_space<hbm>>
      tpu.wait_dma2 semaphore(%arg14 : memref<!tpu.dma_semaphore, #tpu.memory_space<semaphore_mem>>) src(%dma_wait3A_96 : memref<128x128xf32, #tpu.memory_space<hbm>>) dst(%arg9 : memref<128x128xf32, #tpu.memory_space<vmem>>)
      %add3A_97 = arith.constant 2 : i32
      %add3A_98 = arith.addi %add3A_53, %add3A_97 : i32
      %lt3A_99 = arith.constant 40 : i32
      %lt3A_100 = arith.cmpi slt, %add3A_98, %lt3A_99 : i32
      %convert_element_type3A_101 = arith.extui %lt3A_100 : i1 to i32
      %cond3A_102 = arith.constant 0 : i32
      %cond3A_103 = arith.cmpi ne, %convert_element_type3A_101, %cond3A_102 : i32
      scf.if %cond3A_103 {
        %add3A_105 = arith.constant 2 : i32
        %add3A_106 = arith.addi %add3A_53, %add3A_105 : i32
        %dma_start3A_107 = arith.constant 0 : i32
        %dma_start3A_108 = tpu.memref_slice %arg6[%add3A_106, %dma_start3A_107] : memref<40x128xi32, #tpu.memory_space<vmem>> -> memref<1x128xi32, #tpu.memory_space<vmem>>
        %dma_start3A_109 = tpu.memref_squeeze %dma_start3A_108 : memref<1x128xi32, #tpu.memory_space<vmem>> -> memref<128xi32, #tpu.memory_space<vmem>>
        %dma_start3A_110 = arith.constant 0 : i32
        %dma_start3A_111 = arith.constant 0 : i32
        %dma_start3A_112 = tpu.memref_slice %arg2[%dma_start3A_110, %dma_start3A_111] : memref<20480x128xf32, #tpu.memory_space<hbm>> -> memref<20480x128xf32, #tpu.memory_space<hbm>>
        tpu.enqueue_indirect_dma source(%dma_start3A_112 : memref<20480x128xf32, #tpu.memory_space<hbm>>) target(%arg9 : memref<128x128xf32, #tpu.memory_space<vmem>>) offsets(%dma_start3A_109 : memref<128xi32, #tpu.memory_space<vmem>>) semaphore(%arg12 : memref<!tpu.dma_semaphore, #tpu.memory_space<semaphore_mem>>)
      } else {
      }
      %scan3A_104 = arith.constant 0 : i32
      scf.yield %scan3A_104 : i32
    }
    %scan3A_43 = arith.constant 20 : i32
    %barrier3A_44 = arith.constant 0 : index
    tpu.barrier barrier_id(%barrier3A_44)
    %mul3A_45 = arith.constant 10240 : i32
    %mul3A_46 = arith.muli %arg0, %mul3A_45 : i32
    %add3A_47 = arith.addi %mul3A_46, %mul3A_0 : i32
    "tpu.region"() ({
      %run_scoped3A_48 = tpu.sem_alloc : memref<!tpu.dma_semaphore, #tpu.memory_space<semaphore_mem>>
      %dma_start3A_49 = arith.constant 0 : i32
      %dma_start3A_50 = tpu.memref_slice %arg5[%add3A_47, %dma_start3A_49] : memref<20480x128xf32, #tpu.memory_space<hbm>> -> memref<640x128xf32, #tpu.memory_space<hbm>>
      %dma_start3A_51 = arith.constant 0 : i32
      %dma_start3A_52 = tpu.memref_slice %arg10[%mul3A_0, %dma_start3A_51] : memref<10240x128xf32, #tpu.memory_space<vmem_shared>> -> memref<640x128xf32, #tpu.memory_space<vmem_shared>>
      tpu.enqueue_dma source(%dma_start3A_52 : memref<640x128xf32, #tpu.memory_space<vmem_shared>>) target(%dma_start3A_50 : memref<640x128xf32, #tpu.memory_space<hbm>>) target_semaphore(%run_scoped3A_48 : memref<!tpu.dma_semaphore, #tpu.memory_space<semaphore_mem>>)
      %dma_wait3A = arith.constant 0 : i32
      %dma_wait3A_53 = tpu.memref_slice %arg5[%add3A_47, %dma_wait3A] : memref<20480x128xf32, #tpu.memory_space<hbm>> -> memref<640x128xf32, #tpu.memory_space<hbm>>
      %dma_wait3A_54 = arith.constant 0 : i32
      %dma_wait3A_55 = tpu.memref_slice %arg10[%mul3A_0, %dma_wait3A_54] : memref<10240x128xf32, #tpu.memory_space<vmem_shared>> -> memref<640x128xf32, #tpu.memory_space<vmem_shared>>
      tpu.wait_dma2 semaphore(%run_scoped3A_48 : memref<!tpu.dma_semaphore, #tpu.memory_space<semaphore_mem>>) src(%dma_wait3A_55 : memref<640x128xf32, #tpu.memory_space<vmem_shared>>) dst(%dma_wait3A_53 : memref<640x128xf32, #tpu.memory_space<hbm>>)
      tpu.yield
    }) : () -> ()
    return
  }
}

#map = affine_map<(d0, d1) -> (0, 0)>
module attributes {stable_mosaic.version = 14 : i64} {
  func.func @_sc_deg_body(%arg0: i32, %arg1: i32, %arg2: memref<32x5120xi32, #tpu.memory_space<hbm>>, %arg3: memref<32x10240xf32, #tpu.memory_space<hbm>>, %arg4: memref<5120xi32, #tpu.memory_space<vmem>>, %arg5: memref<10240xf32, #tpu.memory_space<vmem>>) attributes {dimension_semantics = [#tpu.dimension_semantics<core_parallel>, #tpu.dimension_semantics<subcore_parallel>], iteration_bounds = array<i64: 2, 16>, scalar_prefetch = 0 : i64, scratch_operands = 2 : i64, tpu.core_type = #tpu.core_type<sc_vector_subcore>, window_params = [{transform_indices = #map}, {transform_indices = #map}]} {
    %mul3A = arith.constant 2 : i32
    %mul3A_0 = arith.muli %arg1, %mul3A : i32
    %add3A = arith.addi %mul3A_0, %arg0 : i32
    "tpu.region"() ({
      %run_scoped3A = tpu.sem_alloc : memref<!tpu.dma_semaphore, #tpu.memory_space<semaphore_mem>>
      %dma_start3A = arith.constant 0 : i32
      %dma_start3A_15 = tpu.memref_slice %arg2[%add3A, %dma_start3A] : memref<32x5120xi32, #tpu.memory_space<hbm>> -> memref<1x5120xi32, #tpu.memory_space<hbm>>
      %dma_start3A_16 = tpu.memref_squeeze %dma_start3A_15 : memref<1x5120xi32, #tpu.memory_space<hbm>> -> memref<5120xi32, #tpu.memory_space<hbm>>
      %dma_start3A_17 = arith.constant 0 : i32
      %dma_start3A_18 = tpu.memref_slice %arg2[%add3A, %dma_start3A_17] : memref<32x5120xi32, #tpu.memory_space<hbm>> -> memref<1x5120xi32, #tpu.memory_space<hbm>>
      %dma_start3A_19 = tpu.memref_squeeze %dma_start3A_18 : memref<1x5120xi32, #tpu.memory_space<hbm>> -> memref<5120xi32, #tpu.memory_space<hbm>>
      tpu.enqueue_dma source(%dma_start3A_19 : memref<5120xi32, #tpu.memory_space<hbm>>) target(%arg4 : memref<5120xi32, #tpu.memory_space<vmem>>) target_semaphore(%run_scoped3A : memref<!tpu.dma_semaphore, #tpu.memory_space<semaphore_mem>>)
      %dma_wait3A = arith.constant 0 : i32
      %dma_wait3A_20 = tpu.memref_slice %arg2[%add3A, %dma_wait3A] : memref<32x5120xi32, #tpu.memory_space<hbm>> -> memref<1x5120xi32, #tpu.memory_space<hbm>>
      %dma_wait3A_21 = tpu.memref_squeeze %dma_wait3A_20 : memref<1x5120xi32, #tpu.memory_space<hbm>> -> memref<5120xi32, #tpu.memory_space<hbm>>
      %dma_wait3A_22 = arith.constant 0 : i32
      %dma_wait3A_23 = tpu.memref_slice %arg2[%add3A, %dma_wait3A_22] : memref<32x5120xi32, #tpu.memory_space<hbm>> -> memref<1x5120xi32, #tpu.memory_space<hbm>>
      %dma_wait3A_24 = tpu.memref_squeeze %dma_wait3A_23 : memref<1x5120xi32, #tpu.memory_space<hbm>> -> memref<5120xi32, #tpu.memory_space<hbm>>
      tpu.wait_dma2 semaphore(%run_scoped3A : memref<!tpu.dma_semaphore, #tpu.memory_space<semaphore_mem>>) src(%dma_wait3A_24 : memref<5120xi32, #tpu.memory_space<hbm>>) dst(%arg4 : memref<5120xi32, #tpu.memory_space<vmem>>)
      tpu.yield
    }) : () -> ()
    %scan3A = arith.constant 0 : i32
    %scan3A_1 = arith.constant 0 : i32
    %scan3A_2 = arith.constant 640 : i32
    %scan3A_3 = arith.addi %scan3A_1, %scan3A_2 : i32
    %scan3A_4 = arith.constant 1 : i32
    %scan3A_5 = scf.for %scan3A_15 = %scan3A_1 to %scan3A_3 step %scan3A_4 iter_args(%scan3A_16 = %scan3A) -> (i32)  : i32 {
      %broadcast_in_dim3A_17 = arith.constant 0.000000e+00 : f32
      %broadcast_in_dim3A_18 = vector.broadcast %broadcast_in_dim3A_17 : f32 to vector<16xf32>
      %mul3A_19 = arith.constant 16 : i32
      %mul3A_20 = arith.muli %scan3A_15, %mul3A_19 : i32
      %swap3A = arith.index_cast %mul3A_20 : i32 to index
      %swap3A_21 = tpu.vector_load %arg5[%swap3A] {strides = array<i32>} : memref<10240xf32, #tpu.memory_space<vmem>>, vector<16xf32>,
      tpu.vector_store %arg5[%swap3A], %broadcast_in_dim3A_18 {strides = array<i32>} : memref<10240xf32, #tpu.memory_space<vmem>>, vector<16xf32>,
      %scan3A_22 = arith.constant 0 : i32
      scf.yield %scan3A_22 : i32
    }
    %scan3A_6 = arith.constant 640 : i32
    %broadcast_in_dim3A = arith.constant 1.000000e+00 : f32
    %broadcast_in_dim3A_7 = vector.broadcast %broadcast_in_dim3A : f32 to vector<16xf32>
    %scan3A_8 = arith.constant 0 : i32
    %scan3A_9 = arith.constant 0 : i32
    %scan3A_10 = arith.constant 320 : i32
    %scan3A_11 = arith.addi %scan3A_9, %scan3A_10 : i32
    %scan3A_12 = arith.constant 1 : i32
    %scan3A_13 = scf.for %scan3A_15 = %scan3A_9 to %scan3A_11 step %scan3A_12 iter_args(%scan3A_16 = %scan3A_8) -> (i32)  : i32 {
      %mul3A_17 = arith.constant 16 : i32
      %mul3A_18 = arith.muli %scan3A_15, %mul3A_17 : i32
      %get3A = arith.index_cast %mul3A_18 : i32 to index
      %get3A_19 = tpu.vector_load %arg4[%get3A] {strides = array<i32>} : memref<5120xi32, #tpu.memory_space<vmem>>, vector<16xi32>,
      tpu.vector_store_idx %arg5[%get3A_19], %broadcast_in_dim3A_7 {add = true} : memref<10240xf32, #tpu.memory_space<vmem>>[vector<16xi32>], vector<16xf32>,
      %scan3A_20 = arith.constant 0 : i32
      scf.yield %scan3A_20 : i32
    }
    %scan3A_14 = arith.constant 320 : i32
    "tpu.region"() ({
      %run_scoped3A = tpu.sem_alloc : memref<!tpu.dma_semaphore, #tpu.memory_space<semaphore_mem>>
      %dma_start3A = arith.constant 0 : i32
      %dma_start3A_15 = tpu.memref_slice %arg3[%add3A, %dma_start3A] : memref<32x10240xf32, #tpu.memory_space<hbm>> -> memref<1x10240xf32, #tpu.memory_space<hbm>>
      %dma_start3A_16 = tpu.memref_squeeze %dma_start3A_15 : memref<1x10240xf32, #tpu.memory_space<hbm>> -> memref<10240xf32, #tpu.memory_space<hbm>>
      %dma_start3A_17 = arith.constant 0 : i32
      %dma_start3A_18 = tpu.memref_slice %arg3[%add3A, %dma_start3A_17] : memref<32x10240xf32, #tpu.memory_space<hbm>> -> memref<1x10240xf32, #tpu.memory_space<hbm>>
      %dma_start3A_19 = tpu.memref_squeeze %dma_start3A_18 : memref<1x10240xf32, #tpu.memory_space<hbm>> -> memref<10240xf32, #tpu.memory_space<hbm>>
      tpu.enqueue_dma source(%arg5 : memref<10240xf32, #tpu.memory_space<vmem>>) target(%dma_start3A_19 : memref<10240xf32, #tpu.memory_space<hbm>>) target_semaphore(%run_scoped3A : memref<!tpu.dma_semaphore, #tpu.memory_space<semaphore_mem>>)
      %dma_wait3A = arith.constant 0 : i32
      %dma_wait3A_20 = tpu.memref_slice %arg3[%add3A, %dma_wait3A] : memref<32x10240xf32, #tpu.memory_space<hbm>> -> memref<1x10240xf32, #tpu.memory_space<hbm>>
      %dma_wait3A_21 = tpu.memref_squeeze %dma_wait3A_20 : memref<1x10240xf32, #tpu.memory_space<hbm>> -> memref<10240xf32, #tpu.memory_space<hbm>>
      %dma_wait3A_22 = arith.constant 0 : i32
      %dma_wait3A_23 = tpu.memref_slice %arg3[%add3A, %dma_wait3A_22] : memref<32x10240xf32, #tpu.memory_space<hbm>> -> memref<1x10240xf32, #tpu.memory_space<hbm>>
      %dma_wait3A_24 = tpu.memref_squeeze %dma_wait3A_23 : memref<1x10240xf32, #tpu.memory_space<hbm>> -> memref<10240xf32, #tpu.memory_space<hbm>>
      tpu.wait_dma2 semaphore(%run_scoped3A : memref<!tpu.dma_semaphore, #tpu.memory_space<semaphore_mem>>) src(%arg5 : memref<10240xf32, #tpu.memory_space<vmem>>) dst(%dma_wait3A_24 : memref<10240xf32, #tpu.memory_space<hbm>>)
      tpu.yield
    }) : () -> ()
    return
  }
}

#map = affine_map<(d0, d1) -> (0, 0)>
#map1 = affine_map<(d0, d1) -> (0, 0, 0, 0, 0)>
#map2 = affine_map<(d0, d1) -> (0, 0, 0)>
module attributes {stable_mosaic.version = 14 : i64} {
  func.func @_sc_agg_body(%arg0: i32, %arg1: i32, %arg2: memref<20480x128xf32, #tpu.memory_space<hbm>>, %arg3: memref<2x16x2x40x128xi32, #tpu.memory_space<hbm>>, %arg4: memref<16x80x128xi32, #tpu.memory_space<hbm>>, %arg5: memref<20480x128xf32, #tpu.memory_space<hbm>>, %arg6: memref<40x128xi32, #tpu.memory_space<vmem>>, %arg7: memref<80x128xi32, #tpu.memory_space<vmem>>, %arg8: memref<128x128xf32, #tpu.memory_space<vmem>>, %arg9: memref<128x128xf32, #tpu.memory_space<vmem>>, %arg10: memref<10240x128xf32, #tpu.memory_space<vmem_shared>>, %arg11: memref<!tpu.dma_semaphore, #tpu.memory_space<semaphore_mem>>, %arg12: memref<!tpu.dma_semaphore, #tpu.memory_space<semaphore_mem>>, %arg13: memref<!tpu.dma_semaphore, #tpu.memory_space<semaphore_mem>>, %arg14: memref<!tpu.dma_semaphore, #tpu.memory_space<semaphore_mem>>) attributes {dimension_semantics = [#tpu.dimension_semantics<core_parallel>, #tpu.dimension_semantics<subcore_parallel>], iteration_bounds = array<i64: 2, 16>, scalar_prefetch = 0 : i64, scratch_operands = 9 : i64, tpu.core_type = #tpu.core_type<sc_vector_subcore>, window_params = [{transform_indices = #map}, {transform_indices = #map1}, {transform_indices = #map2}, {transform_indices = #map}]} {
    %mul3A = arith.constant 640 : i32
    %mul3A_0 = arith.muli %arg1, %mul3A : i32
    %mul3A_1 = arith.constant 10240 : i32
    %mul3A_2 = arith.muli %arg0, %mul3A_1 : i32
    %add3A = arith.addi %mul3A_2, %mul3A_0 : i32
    "tpu.region"() ({
      %run_scoped3A_48 = tpu.sem_alloc : memref<!tpu.dma_semaphore, #tpu.memory_space<semaphore_mem>>
      %dma_start3A_49 = arith.constant 0 : i32
      %dma_start3A_50 = tpu.memref_slice %arg10[%mul3A_0, %dma_start3A_49] : memref<10240x128xf32, #tpu.memory_space<vmem_shared>> -> memref<640x128xf32, #tpu.memory_space<vmem_shared>>
      %dma_start3A_51 = arith.constant 0 : i32
      %dma_start3A_52 = tpu.memref_slice %arg2[%add3A, %dma_start3A_51] : memref<20480x128xf32, #tpu.memory_space<hbm>> -> memref<640x128xf32, #tpu.memory_space<hbm>>
      tpu.enqueue_dma source(%dma_start3A_52 : memref<640x128xf32, #tpu.memory_space<hbm>>) target(%dma_start3A_50 : memref<640x128xf32, #tpu.memory_space<vmem_shared>>) target_semaphore(%run_scoped3A_48 : memref<!tpu.dma_semaphore, #tpu.memory_space<semaphore_mem>>)
      %dma_wait3A = arith.constant 0 : i32
      %dma_wait3A_53 = tpu.memref_slice %arg10[%mul3A_0, %dma_wait3A] : memref<10240x128xf32, #tpu.memory_space<vmem_shared>> -> memref<640x128xf32, #tpu.memory_space<vmem_shared>>
      %dma_wait3A_54 = arith.constant 0 : i32
      %dma_wait3A_55 = tpu.memref_slice %arg2[%add3A, %dma_wait3A_54] : memref<20480x128xf32, #tpu.memory_space<hbm>> -> memref<640x128xf32, #tpu.memory_space<hbm>>
      tpu.wait_dma2 semaphore(%run_scoped3A_48 : memref<!tpu.dma_semaphore, #tpu.memory_space<semaphore_mem>>) src(%dma_wait3A_55 : memref<640x128xf32, #tpu.memory_space<hbm>>) dst(%dma_wait3A_53 : memref<640x128xf32, #tpu.memory_space<vmem_shared>>)
      tpu.yield
    }) : () -> ()
    %barrier3A = arith.constant 0 : index
    tpu.barrier barrier_id(%barrier3A)
    "tpu.region"() ({
      %run_scoped3A_48 = tpu.sem_alloc : memref<!tpu.dma_semaphore, #tpu.memory_space<semaphore_mem>>
      %dma_start3A_49 = arith.constant 0 : i32
      %dma_start3A_50 = arith.constant 0 : i32
      %dma_start3A_51 = tpu.memref_slice %arg4[%arg1, %dma_start3A_49, %dma_start3A_50] : memref<16x80x128xi32, #tpu.memory_space<hbm>> -> memref<1x80x128xi32, #tpu.memory_space<hbm>>
      %dma_start3A_52 = tpu.memref_squeeze %dma_start3A_51 : memref<1x80x128xi32, #tpu.memory_space<hbm>> -> memref<80x128xi32, #tpu.memory_space<hbm>>
      %dma_start3A_53 = arith.constant 0 : i32
      %dma_start3A_54 = arith.constant 0 : i32
      %dma_start3A_55 = tpu.memref_slice %arg4[%arg1, %dma_start3A_53, %dma_start3A_54] : memref<16x80x128xi32, #tpu.memory_space<hbm>> -> memref<1x80x128xi32, #tpu.memory_space<hbm>>
      %dma_start3A_56 = tpu.memref_squeeze %dma_start3A_55 : memref<1x80x128xi32, #tpu.memory_space<hbm>> -> memref<80x128xi32, #tpu.memory_space<hbm>>
      tpu.enqueue_dma source(%dma_start3A_56 : memref<80x128xi32, #tpu.memory_space<hbm>>) target(%arg7 : memref<80x128xi32, #tpu.memory_space<vmem>>) target_semaphore(%run_scoped3A_48 : memref<!tpu.dma_semaphore, #tpu.memory_space<semaphore_mem>>)
      %dma_wait3A = arith.constant 0 : i32
      %dma_wait3A_57 = arith.constant 0 : i32
      %dma_wait3A_58 = tpu.memref_slice %arg4[%arg1, %dma_wait3A, %dma_wait3A_57] : memref<16x80x128xi32, #tpu.memory_space<hbm>> -> memref<1x80x128xi32, #tpu.memory_space<hbm>>
      %dma_wait3A_59 = tpu.memref_squeeze %dma_wait3A_58 : memref<1x80x128xi32, #tpu.memory_space<hbm>> -> memref<80x128xi32, #tpu.memory_space<hbm>>
      %dma_wait3A_60 = arith.constant 0 : i32
      %dma_wait3A_61 = arith.constant 0 : i32
      %dma_wait3A_62 = tpu.memref_slice %arg4[%arg1, %dma_wait3A_60, %dma_wait3A_61] : memref<16x80x128xi32, #tpu.memory_space<hbm>> -> memref<1x80x128xi32, #tpu.memory_space<hbm>>
      %dma_wait3A_63 = tpu.memref_squeeze %dma_wait3A_62 : memref<1x80x128xi32, #tpu.memory_space<hbm>> -> memref<80x128xi32, #tpu.memory_space<hbm>>
      tpu.wait_dma2 semaphore(%run_scoped3A_48 : memref<!tpu.dma_semaphore, #tpu.memory_space<semaphore_mem>>) src(%dma_wait3A_63 : memref<80x128xi32, #tpu.memory_space<hbm>>) dst(%arg7 : memref<80x128xi32, #tpu.memory_space<vmem>>)
      tpu.yield
    }) : () -> ()
    %run_scoped3A = arith.constant 0 : i32
    "tpu.region"() ({
      %run_scoped3A_48 = tpu.sem_alloc : memref<!tpu.dma_semaphore, #tpu.memory_space<semaphore_mem>>
      %dma_start3A_49 = arith.constant 0 : i32
      %dma_start3A_50 = arith.constant 0 : i32
      %dma_start3A_51 = tpu.memref_slice %arg3[%arg0, %arg1, %run_scoped3A, %dma_start3A_49, %dma_start3A_50] : memref<2x16x2x40x128xi32, #tpu.memory_space<hbm>> -> memref<1x1x1x40x128xi32, #tpu.memory_space<hbm>>
      %dma_start3A_52 = tpu.memref_squeeze %dma_start3A_51 : memref<1x1x1x40x128xi32, #tpu.memory_space<hbm>> -> memref<40x128xi32, #tpu.memory_space<hbm>>
      %dma_start3A_53 = arith.constant 0 : i32
      %dma_start3A_54 = arith.constant 0 : i32
      %dma_start3A_55 = tpu.memref_slice %arg3[%arg0, %arg1, %run_scoped3A, %dma_start3A_53, %dma_start3A_54] : memref<2x16x2x40x128xi32, #tpu.memory_space<hbm>> -> memref<1x1x1x40x128xi32, #tpu.memory_space<hbm>>
      %dma_start3A_56 = tpu.memref_squeeze %dma_start3A_55 : memref<1x1x1x40x128xi32, #tpu.memory_space<hbm>> -> memref<40x128xi32, #tpu.memory_space<hbm>>
      tpu.enqueue_dma source(%dma_start3A_56 : memref<40x128xi32, #tpu.memory_space<hbm>>) target(%arg6 : memref<40x128xi32, #tpu.memory_space<vmem>>) target_semaphore(%run_scoped3A_48 : memref<!tpu.dma_semaphore, #tpu.memory_space<semaphore_mem>>)
      %dma_wait3A = arith.constant 0 : i32
      %dma_wait3A_57 = arith.constant 0 : i32
      %dma_wait3A_58 = tpu.memref_slice %arg3[%arg0, %arg1, %run_scoped3A, %dma_wait3A, %dma_wait3A_57] : memref<2x16x2x40x128xi32, #tpu.memory_space<hbm>> -> memref<1x1x1x40x128xi32, #tpu.memory_space<hbm>>
      %dma_wait3A_59 = tpu.memref_squeeze %dma_wait3A_58 : memref<1x1x1x40x128xi32, #tpu.memory_space<hbm>> -> memref<40x128xi32, #tpu.memory_space<hbm>>
      %dma_wait3A_60 = arith.constant 0 : i32
      %dma_wait3A_61 = arith.constant 0 : i32
      %dma_wait3A_62 = tpu.memref_slice %arg3[%arg0, %arg1, %run_scoped3A, %dma_wait3A_60, %dma_wait3A_61] : memref<2x16x2x40x128xi32, #tpu.memory_space<hbm>> -> memref<1x1x1x40x128xi32, #tpu.memory_space<hbm>>
      %dma_wait3A_63 = tpu.memref_squeeze %dma_wait3A_62 : memref<1x1x1x40x128xi32, #tpu.memory_space<hbm>> -> memref<40x128xi32, #tpu.memory_space<hbm>>
      tpu.wait_dma2 semaphore(%run_scoped3A_48 : memref<!tpu.dma_semaphore, #tpu.memory_space<semaphore_mem>>) src(%dma_wait3A_63 : memref<40x128xi32, #tpu.memory_space<hbm>>) dst(%arg6 : memref<40x128xi32, #tpu.memory_space<vmem>>)
      tpu.yield
    }) : () -> ()
    %dma_start3A = arith.constant 0 : i32
    %dma_start3A_3 = arith.constant 0 : i32
    %dma_start3A_4 = tpu.memref_slice %arg6[%dma_start3A, %dma_start3A_3] : memref<40x128xi32, #tpu.memory_space<vmem>> -> memref<1x128xi32, #tpu.memory_space<vmem>>
    %dma_start3A_5 = tpu.memref_squeeze %dma_start3A_4 : memref<1x128xi32, #tpu.memory_space<vmem>> -> memref<128xi32, #tpu.memory_space<vmem>>
    %dma_start3A_6 = arith.constant 0 : i32
    %dma_start3A_7 = arith.constant 0 : i32
    %dma_start3A_8 = tpu.memref_slice %arg2[%dma_start3A_6, %dma_start3A_7] : memref<20480x128xf32, #tpu.memory_space<hbm>> -> memref<20480x128xf32, #tpu.memory_space<hbm>>
    tpu.enqueue_indirect_dma source(%dma_start3A_8 : memref<20480x128xf32, #tpu.memory_space<hbm>>) target(%arg8 : memref<128x128xf32, #tpu.memory_space<vmem>>) offsets(%dma_start3A_5 : memref<128xi32, #tpu.memory_space<vmem>>) semaphore(%arg11 : memref<!tpu.dma_semaphore, #tpu.memory_space<semaphore_mem>>)
    %dma_start3A_9 = arith.constant 1 : i32
    %dma_start3A_10 = arith.constant 0 : i32
    %dma_start3A_11 = tpu.memref_slice %arg6[%dma_start3A_9, %dma_start3A_10] : memref<40x128xi32, #tpu.memory_space<vmem>> -> memref<1x128xi32, #tpu.memory_space<vmem>>
    %dma_start3A_12 = tpu.memref_squeeze %dma_start3A_11 : memref<1x128xi32, #tpu.memory_space<vmem>> -> memref<128xi32, #tpu.memory_space<vmem>>
    %dma_start3A_13 = arith.constant 0 : i32
    %dma_start3A_14 = arith.constant 0 : i32
    %dma_start3A_15 = tpu.memref_slice %arg2[%dma_start3A_13, %dma_start3A_14] : memref<20480x128xf32, #tpu.memory_space<hbm>> -> memref<20480x128xf32, #tpu.memory_space<hbm>>
    tpu.enqueue_indirect_dma source(%dma_start3A_15 : memref<20480x128xf32, #tpu.memory_space<hbm>>) target(%arg9 : memref<128x128xf32, #tpu.memory_space<vmem>>) offsets(%dma_start3A_12 : memref<128xi32, #tpu.memory_space<vmem>>) semaphore(%arg12 : memref<!tpu.dma_semaphore, #tpu.memory_space<semaphore_mem>>)
    %scan3A = arith.constant 0 : i32
    %scan3A_16 = arith.constant 0 : i32
    %scan3A_17 = arith.constant 20 : i32
    %scan3A_18 = arith.addi %scan3A_16, %scan3A_17 : i32
    %scan3A_19 = arith.constant 1 : i32
    %scan3A_20 = scf.for %scan3A_48 = %scan3A_16 to %scan3A_18 step %scan3A_19 iter_args(%scan3A_49 = %scan3A) -> (i32)  : i32 {
      %mul3A_50 = arith.constant 2 : i32
      %mul3A_51 = arith.muli %mul3A_50, %scan3A_48 : i32
      %add3A_52 = arith.constant 1 : i32
      %add3A_53 = arith.addi %mul3A_51, %add3A_52 : i32
      %dma_wait3A = arith.constant 0 : i32
      %dma_wait3A_54 = arith.constant 0 : i32
      %dma_wait3A_55 = tpu.memref_slice %arg2[%dma_wait3A, %dma_wait3A_54] : memref<20480x128xf32, #tpu.memory_space<hbm>> -> memref<128x128xf32, #tpu.memory_space<hbm>>
      %dma_wait3A_56 = arith.constant 0 : i32
      %dma_wait3A_57 = arith.constant 0 : i32
      %dma_wait3A_58 = tpu.memref_slice %arg2[%dma_wait3A_56, %dma_wait3A_57] : memref<20480x128xf32, #tpu.memory_space<hbm>> -> memref<128x128xf32, #tpu.memory_space<hbm>>
      tpu.wait_dma2 semaphore(%arg11 : memref<!tpu.dma_semaphore, #tpu.memory_space<semaphore_mem>>) src(%dma_wait3A_58 : memref<128x128xf32, #tpu.memory_space<hbm>>) dst(%arg8 : memref<128x128xf32, #tpu.memory_space<vmem>>)
      %add3A_59 = arith.constant 0 : i32
      %add3A_60 = arith.addi %add3A_59, %mul3A_51 : i32
      %dma_start3A_61 = arith.constant 0 : i32
      %dma_start3A_62 = tpu.memref_slice %arg7[%add3A_60, %dma_start3A_61] : memref<80x128xi32, #tpu.memory_space<vmem>> -> memref<1x128xi32, #tpu.memory_space<vmem>>
      %dma_start3A_63 = tpu.memref_squeeze %dma_start3A_62 : memref<1x128xi32, #tpu.memory_space<vmem>> -> memref<128xi32, #tpu.memory_space<vmem>>
      %dma_start3A_64 = arith.constant 0 : i32
      %dma_start3A_65 = arith.constant 0 : i32
      %dma_start3A_66 = tpu.memref_slice %arg10[%dma_start3A_64, %dma_start3A_65] : memref<10240x128xf32, #tpu.memory_space<vmem_shared>> -> memref<10240x128xf32, #tpu.memory_space<vmem_shared>>
      tpu.enqueue_indirect_dma source(%arg8 : memref<128x128xf32, #tpu.memory_space<vmem>>) target(%dma_start3A_66 : memref<10240x128xf32, #tpu.memory_space<vmem_shared>>) offsets(%dma_start3A_63 : memref<128xi32, #tpu.memory_space<vmem>>) semaphore(%arg13 : memref<!tpu.dma_semaphore, #tpu.memory_space<semaphore_mem>>) {add = true}
      %dma_wait3A_67 = arith.constant 0 : i32
      %dma_wait3A_68 = arith.constant 0 : i32
      %dma_wait3A_69 = tpu.memref_slice %arg2[%dma_wait3A_67, %dma_wait3A_68] : memref<20480x128xf32, #tpu.memory_space<hbm>> -> memref<128x128xf32, #tpu.memory_space<hbm>>
      %dma_wait3A_70 = arith.constant 0 : i32
      %dma_wait3A_71 = arith.constant 0 : i32
      %dma_wait3A_72 = tpu.memref_slice %arg2[%dma_wait3A_70, %dma_wait3A_71] : memref<20480x128xf32, #tpu.memory_space<hbm>> -> memref<128x128xf32, #tpu.memory_space<hbm>>
      tpu.wait_dma2 semaphore(%arg12 : memref<!tpu.dma_semaphore, #tpu.memory_space<semaphore_mem>>) src(%dma_wait3A_72 : memref<128x128xf32, #tpu.memory_space<hbm>>) dst(%arg9 : memref<128x128xf32, #tpu.memory_space<vmem>>)
      %add3A_73 = arith.constant 0 : i32
      %add3A_74 = arith.addi %add3A_73, %add3A_53 : i32
      %dma_start3A_75 = arith.constant 0 : i32
      %dma_start3A_76 = tpu.memref_slice %arg7[%add3A_74, %dma_start3A_75] : memref<80x128xi32, #tpu.memory_space<vmem>> -> memref<1x128xi32, #tpu.memory_space<vmem>>
      %dma_start3A_77 = tpu.memref_squeeze %dma_start3A_76 : memref<1x128xi32, #tpu.memory_space<vmem>> -> memref<128xi32, #tpu.memory_space<vmem>>
      %dma_start3A_78 = arith.constant 0 : i32
      %dma_start3A_79 = arith.constant 0 : i32
      %dma_start3A_80 = tpu.memref_slice %arg10[%dma_start3A_78, %dma_start3A_79] : memref<10240x128xf32, #tpu.memory_space<vmem_shared>> -> memref<10240x128xf32, #tpu.memory_space<vmem_shared>>
      tpu.enqueue_indirect_dma source(%arg9 : memref<128x128xf32, #tpu.memory_space<vmem>>) target(%dma_start3A_80 : memref<10240x128xf32, #tpu.memory_space<vmem_shared>>) offsets(%dma_start3A_77 : memref<128xi32, #tpu.memory_space<vmem>>) semaphore(%arg14 : memref<!tpu.dma_semaphore, #tpu.memory_space<semaphore_mem>>) {add = true}
      %dma_wait3A_81 = arith.constant 0 : i32
      %dma_wait3A_82 = arith.constant 0 : i32
      %dma_wait3A_83 = tpu.memref_slice %arg2[%dma_wait3A_81, %dma_wait3A_82] : memref<20480x128xf32, #tpu.memory_space<hbm>> -> memref<128x128xf32, #tpu.memory_space<hbm>>
      %dma_wait3A_84 = arith.constant 0 : i32
      %dma_wait3A_85 = arith.constant 0 : i32
      %dma_wait3A_86 = tpu.memref_slice %arg2[%dma_wait3A_84, %dma_wait3A_85] : memref<20480x128xf32, #tpu.memory_space<hbm>> -> memref<128x128xf32, #tpu.memory_space<hbm>>
      tpu.wait_dma2 semaphore(%arg13 : memref<!tpu.dma_semaphore, #tpu.memory_space<semaphore_mem>>) src(%dma_wait3A_86 : memref<128x128xf32, #tpu.memory_space<hbm>>) dst(%arg8 : memref<128x128xf32, #tpu.memory_space<vmem>>)
      %add3A_87 = arith.constant 2 : i32
      %add3A_88 = arith.addi %mul3A_51, %add3A_87 : i32
      %lt3A = arith.constant 40 : i32
      %lt3A_89 = arith.cmpi slt, %add3A_88, %lt3A : i32
      %convert_element_type3A = arith.extui %lt3A_89 : i1 to i32
      %cond3A = arith.constant 0 : i32
      %cond3A_90 = arith.cmpi ne, %convert_element_type3A, %cond3A : i32
      scf.if %cond3A_90 {
        %add3A_105 = arith.constant 2 : i32
        %add3A_106 = arith.addi %mul3A_51, %add3A_105 : i32
        %dma_start3A_107 = arith.constant 0 : i32
        %dma_start3A_108 = tpu.memref_slice %arg6[%add3A_106, %dma_start3A_107] : memref<40x128xi32, #tpu.memory_space<vmem>> -> memref<1x128xi32, #tpu.memory_space<vmem>>
        %dma_start3A_109 = tpu.memref_squeeze %dma_start3A_108 : memref<1x128xi32, #tpu.memory_space<vmem>> -> memref<128xi32, #tpu.memory_space<vmem>>
        %dma_start3A_110 = arith.constant 0 : i32
        %dma_start3A_111 = arith.constant 0 : i32
        %dma_start3A_112 = tpu.memref_slice %arg2[%dma_start3A_110, %dma_start3A_111] : memref<20480x128xf32, #tpu.memory_space<hbm>> -> memref<20480x128xf32, #tpu.memory_space<hbm>>
        tpu.enqueue_indirect_dma source(%dma_start3A_112 : memref<20480x128xf32, #tpu.memory_space<hbm>>) target(%arg8 : memref<128x128xf32, #tpu.memory_space<vmem>>) offsets(%dma_start3A_109 : memref<128xi32, #tpu.memory_space<vmem>>) semaphore(%arg11 : memref<!tpu.dma_semaphore, #tpu.memory_space<semaphore_mem>>)
      } else {
      }
      %dma_wait3A_91 = arith.constant 0 : i32
      %dma_wait3A_92 = arith.constant 0 : i32
      %dma_wait3A_93 = tpu.memref_slice %arg2[%dma_wait3A_91, %dma_wait3A_92] : memref<20480x128xf32, #tpu.memory_space<hbm>> -> memref<128x128xf32, #tpu.memory_space<hbm>>
      %dma_wait3A_94 = arith.constant 0 : i32
      %dma_wait3A_95 = arith.constant 0 : i32
      %dma_wait3A_96 = tpu.memref_slice %arg2[%dma_wait3A_94, %dma_wait3A_95] : memref<20480x128xf32, #tpu.memory_space<hbm>> -> memref<128x128xf32, #tpu.memory_space<hbm>>
      tpu.wait_dma2 semaphore(%arg14 : memref<!tpu.dma_semaphore, #tpu.memory_space<semaphore_mem>>) src(%dma_wait3A_96 : memref<128x128xf32, #tpu.memory_space<hbm>>) dst(%arg9 : memref<128x128xf32, #tpu.memory_space<vmem>>)
      %add3A_97 = arith.constant 2 : i32
      %add3A_98 = arith.addi %add3A_53, %add3A_97 : i32
      %lt3A_99 = arith.constant 40 : i32
      %lt3A_100 = arith.cmpi slt, %add3A_98, %lt3A_99 : i32
      %convert_element_type3A_101 = arith.extui %lt3A_100 : i1 to i32
      %cond3A_102 = arith.constant 0 : i32
      %cond3A_103 = arith.cmpi ne, %convert_element_type3A_101, %cond3A_102 : i32
      scf.if %cond3A_103 {
        %add3A_105 = arith.constant 2 : i32
        %add3A_106 = arith.addi %add3A_53, %add3A_105 : i32
        %dma_start3A_107 = arith.constant 0 : i32
        %dma_start3A_108 = tpu.memref_slice %arg6[%add3A_106, %dma_start3A_107] : memref<40x128xi32, #tpu.memory_space<vmem>> -> memref<1x128xi32, #tpu.memory_space<vmem>>
        %dma_start3A_109 = tpu.memref_squeeze %dma_start3A_108 : memref<1x128xi32, #tpu.memory_space<vmem>> -> memref<128xi32, #tpu.memory_space<vmem>>
        %dma_start3A_110 = arith.constant 0 : i32
        %dma_start3A_111 = arith.constant 0 : i32
        %dma_start3A_112 = tpu.memref_slice %arg2[%dma_start3A_110, %dma_start3A_111] : memref<20480x128xf32, #tpu.memory_space<hbm>> -> memref<20480x128xf32, #tpu.memory_space<hbm>>
        tpu.enqueue_indirect_dma source(%dma_start3A_112 : memref<20480x128xf32, #tpu.memory_space<hbm>>) target(%arg9 : memref<128x128xf32, #tpu.memory_space<vmem>>) offsets(%dma_start3A_109 : memref<128xi32, #tpu.memory_space<vmem>>) semaphore(%arg12 : memref<!tpu.dma_semaphore, #tpu.memory_space<semaphore_mem>>)
      } else {
      }
      %scan3A_104 = arith.constant 0 : i32
      scf.yield %scan3A_104 : i32
    }
    %scan3A_21 = arith.constant 20 : i32
    %run_scoped3A_22 = arith.constant 1 : i32
    "tpu.region"() ({
      %run_scoped3A_48 = tpu.sem_alloc : memref<!tpu.dma_semaphore, #tpu.memory_space<semaphore_mem>>
      %dma_start3A_49 = arith.constant 0 : i32
      %dma_start3A_50 = arith.constant 0 : i32
      %dma_start3A_51 = tpu.memref_slice %arg3[%arg0, %arg1, %run_scoped3A_22, %dma_start3A_49, %dma_start3A_50] : memref<2x16x2x40x128xi32, #tpu.memory_space<hbm>> -> memref<1x1x1x40x128xi32, #tpu.memory_space<hbm>>
      %dma_start3A_52 = tpu.memref_squeeze %dma_start3A_51 : memref<1x1x1x40x128xi32, #tpu.memory_space<hbm>> -> memref<40x128xi32, #tpu.memory_space<hbm>>
      %dma_start3A_53 = arith.constant 0 : i32
      %dma_start3A_54 = arith.constant 0 : i32
      %dma_start3A_55 = tpu.memref_slice %arg3[%arg0, %arg1, %run_scoped3A_22, %dma_start3A_53, %dma_start3A_54] : memref<2x16x2x40x128xi32, #tpu.memory_space<hbm>> -> memref<1x1x1x40x128xi32, #tpu.memory_space<hbm>>
      %dma_start3A_56 = tpu.memref_squeeze %dma_start3A_55 : memref<1x1x1x40x128xi32, #tpu.memory_space<hbm>> -> memref<40x128xi32, #tpu.memory_space<hbm>>
      tpu.enqueue_dma source(%dma_start3A_56 : memref<40x128xi32, #tpu.memory_space<hbm>>) target(%arg6 : memref<40x128xi32, #tpu.memory_space<vmem>>) target_semaphore(%run_scoped3A_48 : memref<!tpu.dma_semaphore, #tpu.memory_space<semaphore_mem>>)
      %dma_wait3A = arith.constant 0 : i32
      %dma_wait3A_57 = arith.constant 0 : i32
      %dma_wait3A_58 = tpu.memref_slice %arg3[%arg0, %arg1, %run_scoped3A_22, %dma_wait3A, %dma_wait3A_57] : memref<2x16x2x40x128xi32, #tpu.memory_space<hbm>> -> memref<1x1x1x40x128xi32, #tpu.memory_space<hbm>>
      %dma_wait3A_59 = tpu.memref_squeeze %dma_wait3A_58 : memref<1x1x1x40x128xi32, #tpu.memory_space<hbm>> -> memref<40x128xi32, #tpu.memory_space<hbm>>
      %dma_wait3A_60 = arith.constant 0 : i32
      %dma_wait3A_61 = arith.constant 0 : i32
      %dma_wait3A_62 = tpu.memref_slice %arg3[%arg0, %arg1, %run_scoped3A_22, %dma_wait3A_60, %dma_wait3A_61] : memref<2x16x2x40x128xi32, #tpu.memory_space<hbm>> -> memref<1x1x1x40x128xi32, #tpu.memory_space<hbm>>
      %dma_wait3A_63 = tpu.memref_squeeze %dma_wait3A_62 : memref<1x1x1x40x128xi32, #tpu.memory_space<hbm>> -> memref<40x128xi32, #tpu.memory_space<hbm>>
      tpu.wait_dma2 semaphore(%run_scoped3A_48 : memref<!tpu.dma_semaphore, #tpu.memory_space<semaphore_mem>>) src(%dma_wait3A_63 : memref<40x128xi32, #tpu.memory_space<hbm>>) dst(%arg6 : memref<40x128xi32, #tpu.memory_space<vmem>>)
      tpu.yield
    }) : () -> ()
    %dma_start3A_23 = arith.constant 0 : i32
    %dma_start3A_24 = arith.constant 0 : i32
    %dma_start3A_25 = tpu.memref_slice %arg6[%dma_start3A_23, %dma_start3A_24] : memref<40x128xi32, #tpu.memory_space<vmem>> -> memref<1x128xi32, #tpu.memory_space<vmem>>
    %dma_start3A_26 = tpu.memref_squeeze %dma_start3A_25 : memref<1x128xi32, #tpu.memory_space<vmem>> -> memref<128xi32, #tpu.memory_space<vmem>>
    %dma_start3A_27 = arith.constant 0 : i32
    %dma_start3A_28 = arith.constant 0 : i32
    %dma_start3A_29 = tpu.memref_slice %arg2[%dma_start3A_27, %dma_start3A_28] : memref<20480x128xf32, #tpu.memory_space<hbm>> -> memref<20480x128xf32, #tpu.memory_space<hbm>>
    tpu.enqueue_indirect_dma source(%dma_start3A_29 : memref<20480x128xf32, #tpu.memory_space<hbm>>) target(%arg8 : memref<128x128xf32, #tpu.memory_space<vmem>>) offsets(%dma_start3A_26 : memref<128xi32, #tpu.memory_space<vmem>>) semaphore(%arg11 : memref<!tpu.dma_semaphore, #tpu.memory_space<semaphore_mem>>)
    %dma_start3A_30 = arith.constant 1 : i32
    %dma_start3A_31 = arith.constant 0 : i32
    %dma_start3A_32 = tpu.memref_slice %arg6[%dma_start3A_30, %dma_start3A_31] : memref<40x128xi32, #tpu.memory_space<vmem>> -> memref<1x128xi32, #tpu.memory_space<vmem>>
    %dma_start3A_33 = tpu.memref_squeeze %dma_start3A_32 : memref<1x128xi32, #tpu.memory_space<vmem>> -> memref<128xi32, #tpu.memory_space<vmem>>
    %dma_start3A_34 = arith.constant 0 : i32
    %dma_start3A_35 = arith.constant 0 : i32
    %dma_start3A_36 = tpu.memref_slice %arg2[%dma_start3A_34, %dma_start3A_35] : memref<20480x128xf32, #tpu.memory_space<hbm>> -> memref<20480x128xf32, #tpu.memory_space<hbm>>
    tpu.enqueue_indirect_dma source(%dma_start3A_36 : memref<20480x128xf32, #tpu.memory_space<hbm>>) target(%arg9 : memref<128x128xf32, #tpu.memory_space<vmem>>) offsets(%dma_start3A_33 : memref<128xi32, #tpu.memory_space<vmem>>) semaphore(%arg12 : memref<!tpu.dma_semaphore, #tpu.memory_space<semaphore_mem>>)
    %scan3A_37 = arith.constant 0 : i32
    %scan3A_38 = arith.constant 0 : i32
    %scan3A_39 = arith.constant 20 : i32
    %scan3A_40 = arith.addi %scan3A_38, %scan3A_39 : i32
    %scan3A_41 = arith.constant 1 : i32
    %scan3A_42 = scf.for %scan3A_48 = %scan3A_38 to %scan3A_40 step %scan3A_41 iter_args(%scan3A_49 = %scan3A_37) -> (i32)  : i32 {
      %mul3A_50 = arith.constant 2 : i32
      %mul3A_51 = arith.muli %mul3A_50, %scan3A_48 : i32
      %add3A_52 = arith.constant 1 : i32
      %add3A_53 = arith.addi %mul3A_51, %add3A_52 : i32
      %dma_wait3A = arith.constant 0 : i32
      %dma_wait3A_54 = arith.constant 0 : i32
      %dma_wait3A_55 = tpu.memref_slice %arg2[%dma_wait3A, %dma_wait3A_54] : memref<20480x128xf32, #tpu.memory_space<hbm>> -> memref<128x128xf32, #tpu.memory_space<hbm>>
      %dma_wait3A_56 = arith.constant 0 : i32
      %dma_wait3A_57 = arith.constant 0 : i32
      %dma_wait3A_58 = tpu.memref_slice %arg2[%dma_wait3A_56, %dma_wait3A_57] : memref<20480x128xf32, #tpu.memory_space<hbm>> -> memref<128x128xf32, #tpu.memory_space<hbm>>
      tpu.wait_dma2 semaphore(%arg11 : memref<!tpu.dma_semaphore, #tpu.memory_space<semaphore_mem>>) src(%dma_wait3A_58 : memref<128x128xf32, #tpu.memory_space<hbm>>) dst(%arg8 : memref<128x128xf32, #tpu.memory_space<vmem>>)
      %add3A_59 = arith.constant 40 : i32
      %add3A_60 = arith.addi %add3A_59, %mul3A_51 : i32
      %dma_start3A_61 = arith.constant 0 : i32
      %dma_start3A_62 = tpu.memref_slice %arg7[%add3A_60, %dma_start3A_61] : memref<80x128xi32, #tpu.memory_space<vmem>> -> memref<1x128xi32, #tpu.memory_space<vmem>>
      %dma_start3A_63 = tpu.memref_squeeze %dma_start3A_62 : memref<1x128xi32, #tpu.memory_space<vmem>> -> memref<128xi32, #tpu.memory_space<vmem>>
      %dma_start3A_64 = arith.constant 0 : i32
      %dma_start3A_65 = arith.constant 0 : i32
      %dma_start3A_66 = tpu.memref_slice %arg10[%dma_start3A_64, %dma_start3A_65] : memref<10240x128xf32, #tpu.memory_space<vmem_shared>> -> memref<10240x128xf32, #tpu.memory_space<vmem_shared>>
      tpu.enqueue_indirect_dma source(%arg8 : memref<128x128xf32, #tpu.memory_space<vmem>>) target(%dma_start3A_66 : memref<10240x128xf32, #tpu.memory_space<vmem_shared>>) offsets(%dma_start3A_63 : memref<128xi32, #tpu.memory_space<vmem>>) semaphore(%arg13 : memref<!tpu.dma_semaphore, #tpu.memory_space<semaphore_mem>>) {add = true}
      %dma_wait3A_67 = arith.constant 0 : i32
      %dma_wait3A_68 = arith.constant 0 : i32
      %dma_wait3A_69 = tpu.memref_slice %arg2[%dma_wait3A_67, %dma_wait3A_68] : memref<20480x128xf32, #tpu.memory_space<hbm>> -> memref<128x128xf32, #tpu.memory_space<hbm>>
      %dma_wait3A_70 = arith.constant 0 : i32
      %dma_wait3A_71 = arith.constant 0 : i32
      %dma_wait3A_72 = tpu.memref_slice %arg2[%dma_wait3A_70, %dma_wait3A_71] : memref<20480x128xf32, #tpu.memory_space<hbm>> -> memref<128x128xf32, #tpu.memory_space<hbm>>
      tpu.wait_dma2 semaphore(%arg12 : memref<!tpu.dma_semaphore, #tpu.memory_space<semaphore_mem>>) src(%dma_wait3A_72 : memref<128x128xf32, #tpu.memory_space<hbm>>) dst(%arg9 : memref<128x128xf32, #tpu.memory_space<vmem>>)
      %add3A_73 = arith.constant 40 : i32
      %add3A_74 = arith.addi %add3A_73, %add3A_53 : i32
      %dma_start3A_75 = arith.constant 0 : i32
      %dma_start3A_76 = tpu.memref_slice %arg7[%add3A_74, %dma_start3A_75] : memref<80x128xi32, #tpu.memory_space<vmem>> -> memref<1x128xi32, #tpu.memory_space<vmem>>
      %dma_start3A_77 = tpu.memref_squeeze %dma_start3A_76 : memref<1x128xi32, #tpu.memory_space<vmem>> -> memref<128xi32, #tpu.memory_space<vmem>>
      %dma_start3A_78 = arith.constant 0 : i32
      %dma_start3A_79 = arith.constant 0 : i32
      %dma_start3A_80 = tpu.memref_slice %arg10[%dma_start3A_78, %dma_start3A_79] : memref<10240x128xf32, #tpu.memory_space<vmem_shared>> -> memref<10240x128xf32, #tpu.memory_space<vmem_shared>>
      tpu.enqueue_indirect_dma source(%arg9 : memref<128x128xf32, #tpu.memory_space<vmem>>) target(%dma_start3A_80 : memref<10240x128xf32, #tpu.memory_space<vmem_shared>>) offsets(%dma_start3A_77 : memref<128xi32, #tpu.memory_space<vmem>>) semaphore(%arg14 : memref<!tpu.dma_semaphore, #tpu.memory_space<semaphore_mem>>) {add = true}
      %dma_wait3A_81 = arith.constant 0 : i32
      %dma_wait3A_82 = arith.constant 0 : i32
      %dma_wait3A_83 = tpu.memref_slice %arg2[%dma_wait3A_81, %dma_wait3A_82] : memref<20480x128xf32, #tpu.memory_space<hbm>> -> memref<128x128xf32, #tpu.memory_space<hbm>>
      %dma_wait3A_84 = arith.constant 0 : i32
      %dma_wait3A_85 = arith.constant 0 : i32
      %dma_wait3A_86 = tpu.memref_slice %arg2[%dma_wait3A_84, %dma_wait3A_85] : memref<20480x128xf32, #tpu.memory_space<hbm>> -> memref<128x128xf32, #tpu.memory_space<hbm>>
      tpu.wait_dma2 semaphore(%arg13 : memref<!tpu.dma_semaphore, #tpu.memory_space<semaphore_mem>>) src(%dma_wait3A_86 : memref<128x128xf32, #tpu.memory_space<hbm>>) dst(%arg8 : memref<128x128xf32, #tpu.memory_space<vmem>>)
      %add3A_87 = arith.constant 2 : i32
      %add3A_88 = arith.addi %mul3A_51, %add3A_87 : i32
      %lt3A = arith.constant 40 : i32
      %lt3A_89 = arith.cmpi slt, %add3A_88, %lt3A : i32
      %convert_element_type3A = arith.extui %lt3A_89 : i1 to i32
      %cond3A = arith.constant 0 : i32
      %cond3A_90 = arith.cmpi ne, %convert_element_type3A, %cond3A : i32
      scf.if %cond3A_90 {
        %add3A_105 = arith.constant 2 : i32
        %add3A_106 = arith.addi %mul3A_51, %add3A_105 : i32
        %dma_start3A_107 = arith.constant 0 : i32
        %dma_start3A_108 = tpu.memref_slice %arg6[%add3A_106, %dma_start3A_107] : memref<40x128xi32, #tpu.memory_space<vmem>> -> memref<1x128xi32, #tpu.memory_space<vmem>>
        %dma_start3A_109 = tpu.memref_squeeze %dma_start3A_108 : memref<1x128xi32, #tpu.memory_space<vmem>> -> memref<128xi32, #tpu.memory_space<vmem>>
        %dma_start3A_110 = arith.constant 0 : i32
        %dma_start3A_111 = arith.constant 0 : i32
        %dma_start3A_112 = tpu.memref_slice %arg2[%dma_start3A_110, %dma_start3A_111] : memref<20480x128xf32, #tpu.memory_space<hbm>> -> memref<20480x128xf32, #tpu.memory_space<hbm>>
        tpu.enqueue_indirect_dma source(%dma_start3A_112 : memref<20480x128xf32, #tpu.memory_space<hbm>>) target(%arg8 : memref<128x128xf32, #tpu.memory_space<vmem>>) offsets(%dma_start3A_109 : memref<128xi32, #tpu.memory_space<vmem>>) semaphore(%arg11 : memref<!tpu.dma_semaphore, #tpu.memory_space<semaphore_mem>>)
      } else {
      }
      %dma_wait3A_91 = arith.constant 0 : i32
      %dma_wait3A_92 = arith.constant 0 : i32
      %dma_wait3A_93 = tpu.memref_slice %arg2[%dma_wait3A_91, %dma_wait3A_92] : memref<20480x128xf32, #tpu.memory_space<hbm>> -> memref<128x128xf32, #tpu.memory_space<hbm>>
      %dma_wait3A_94 = arith.constant 0 : i32
      %dma_wait3A_95 = arith.constant 0 : i32
      %dma_wait3A_96 = tpu.memref_slice %arg2[%dma_wait3A_94, %dma_wait3A_95] : memref<20480x128xf32, #tpu.memory_space<hbm>> -> memref<128x128xf32, #tpu.memory_space<hbm>>
      tpu.wait_dma2 semaphore(%arg14 : memref<!tpu.dma_semaphore, #tpu.memory_space<semaphore_mem>>) src(%dma_wait3A_96 : memref<128x128xf32, #tpu.memory_space<hbm>>) dst(%arg9 : memref<128x128xf32, #tpu.memory_space<vmem>>)
      %add3A_97 = arith.constant 2 : i32
      %add3A_98 = arith.addi %add3A_53, %add3A_97 : i32
      %lt3A_99 = arith.constant 40 : i32
      %lt3A_100 = arith.cmpi slt, %add3A_98, %lt3A_99 : i32
      %convert_element_type3A_101 = arith.extui %lt3A_100 : i1 to i32
      %cond3A_102 = arith.constant 0 : i32
      %cond3A_103 = arith.cmpi ne, %convert_element_type3A_101, %cond3A_102 : i32
      scf.if %cond3A_103 {
        %add3A_105 = arith.constant 2 : i32
        %add3A_106 = arith.addi %add3A_53, %add3A_105 : i32
        %dma_start3A_107 = arith.constant 0 : i32
        %dma_start3A_108 = tpu.memref_slice %arg6[%add3A_106, %dma_start3A_107] : memref<40x128xi32, #tpu.memory_space<vmem>> -> memref<1x128xi32, #tpu.memory_space<vmem>>
        %dma_start3A_109 = tpu.memref_squeeze %dma_start3A_108 : memref<1x128xi32, #tpu.memory_space<vmem>> -> memref<128xi32, #tpu.memory_space<vmem>>
        %dma_start3A_110 = arith.constant 0 : i32
        %dma_start3A_111 = arith.constant 0 : i32
        %dma_start3A_112 = tpu.memref_slice %arg2[%dma_start3A_110, %dma_start3A_111] : memref<20480x128xf32, #tpu.memory_space<hbm>> -> memref<20480x128xf32, #tpu.memory_space<hbm>>
        tpu.enqueue_indirect_dma source(%dma_start3A_112 : memref<20480x128xf32, #tpu.memory_space<hbm>>) target(%arg9 : memref<128x128xf32, #tpu.memory_space<vmem>>) offsets(%dma_start3A_109 : memref<128xi32, #tpu.memory_space<vmem>>) semaphore(%arg12 : memref<!tpu.dma_semaphore, #tpu.memory_space<semaphore_mem>>)
      } else {
      }
      %scan3A_104 = arith.constant 0 : i32
      scf.yield %scan3A_104 : i32
    }
    %scan3A_43 = arith.constant 20 : i32
    %barrier3A_44 = arith.constant 0 : index
    tpu.barrier barrier_id(%barrier3A_44)
    %mul3A_45 = arith.constant 10240 : i32
    %mul3A_46 = arith.muli %arg0, %mul3A_45 : i32
    %add3A_47 = arith.addi %mul3A_46, %mul3A_0 : i32
    "tpu.region"() ({
      %run_scoped3A_48 = tpu.sem_alloc : memref<!tpu.dma_semaphore, #tpu.memory_space<semaphore_mem>>
      %dma_start3A_49 = arith.constant 0 : i32
      %dma_start3A_50 = tpu.memref_slice %arg5[%add3A_47, %dma_start3A_49] : memref<20480x128xf32, #tpu.memory_space<hbm>> -> memref<640x128xf32, #tpu.memory_space<hbm>>
      %dma_start3A_51 = arith.constant 0 : i32
      %dma_start3A_52 = tpu.memref_slice %arg10[%mul3A_0, %dma_start3A_51] : memref<10240x128xf32, #tpu.memory_space<vmem_shared>> -> memref<640x128xf32, #tpu.memory_space<vmem_shared>>
      tpu.enqueue_dma source(%dma_start3A_52 : memref<640x128xf32, #tpu.memory_space<vmem_shared>>) target(%dma_start3A_50 : memref<640x128xf32, #tpu.memory_space<hbm>>) target_semaphore(%run_scoped3A_48 : memref<!tpu.dma_semaphore, #tpu.memory_space<semaphore_mem>>)
      %dma_wait3A = arith.constant 0 : i32
      %dma_wait3A_53 = tpu.memref_slice %arg5[%add3A_47, %dma_wait3A] : memref<20480x128xf32, #tpu.memory_space<hbm>> -> memref<640x128xf32, #tpu.memory_space<hbm>>
      %dma_wait3A_54 = arith.constant 0 : i32
      %dma_wait3A_55 = tpu.memref_slice %arg10[%mul3A_0, %dma_wait3A_54] : memref<10240x128xf32, #tpu.memory_space<vmem_shared>> -> memref<640x128xf32, #tpu.memory_space<vmem_shared>>
      tpu.wait_dma2 semaphore(%run_scoped3A_48 : memref<!tpu.dma_semaphore, #tpu.memory_space<semaphore_mem>>) src(%dma_wait3A_55 : memref<640x128xf32, #tpu.memory_space<vmem_shared>>) dst(%dma_wait3A_53 : memref<640x128xf32, #tpu.memory_space<hbm>>)
      tpu.yield
    }) : () -> ()
    return
  }
}

module attributes {stable_mosaic.version = 14 : i64} {
  func.func @_tc1_body(%arg0: i32, %arg1: memref<1280x256xf32, #tpu.memory_space<vmem>>, %arg2: memref<32x1280xf32, #tpu.memory_space<vmem>>, %arg3: memref<256x256xf32, #tpu.memory_space<vmem>>, %arg4: memref<1280x128xf32, #tpu.memory_space<vmem>>, %arg5: memref<1280x128xf32, #tpu.memory_space<vmem>>) attributes {dimension_semantics = [#tpu.dimension_semantics<arbitrary>], iteration_bounds = array<i64: 8>, scalar_prefetch = 0 : i64, scratch_operands = 0 : i64, tpu.core_type = #tpu.core_type<tc>, window_params = [{transform_indices = @transform_0, window_bounds = array<i64: 1280, 256>}, {transform_indices = @transform_1, window_bounds = array<i64: 32, 1280>}, {pipeline_mode = #tpu.pipeline_mode<synchronous>, transform_indices = @transform_2, window_bounds = array<i64: 256, 256>}, {transform_indices = @transform_3, window_bounds = array<i64: 1280, 128>}, {transform_indices = @transform_4, window_bounds = array<i64: 1280, 128>}]} {
    %get3A = arith.constant 0 : index
    %get3A_0 = arith.constant 0 : index
    %get3A_1 = vector.load %arg2[%get3A, %get3A_0] : memref<32x1280xf32, #tpu.memory_space<vmem>>, vector<32x1280xf32>
    %reduce_sum3A = arith.constant dense<0.000000e+00> : vector<1280xf32>
    %reduce_sum3A_2 = vector.multi_reduction <add>, %get3A_1, %reduce_sum3A [0] : vector<32x1280xf32> to vector<1280xf32>
    %add3A = arith.constant 1.000000e+00 : f32
    %add3A_3 = vector.broadcast %add3A : f32 to vector<1280xf32>
    %add3A_4 = arith.addf %reduce_sum3A_2, %add3A_3 : vector<1280xf32>
    %rsqrt3A = math.rsqrt %add3A_4 : vector<1280xf32>
    %get3A_5 = arith.constant 0 : index
    %get3A_6 = arith.constant 0 : index
    %get3A_7 = vector.load %arg1[%get3A_5, %get3A_6] : memref<1280x256xf32, #tpu.memory_space<vmem>>, vector<1280x256xf32>
    %get3A_8 = arith.constant 0 : index
    %get3A_9 = arith.constant 0 : index
    %get3A_10 = vector.load %arg3[%get3A_8, %get3A_9] : memref<256x256xf32, #tpu.memory_space<vmem>>, vector<256x256xf32>
    %dot_general3A = arith.constant dense<0.000000e+00> : vector<1280x256xf32>
    %dot_general3A_11 = tpu.matmul %get3A_7, %get3A_10, %dot_general3A {dimension_numbers = #tpu.dot_dimension_numbers<[1], [0], [0], [1], [0, 0, 1, 1], [], []>, transpose_lhs_hint = false} : vector<1280x256xf32>, vector<256x256xf32>, vector<1280x256xf32> -> vector<1280x256xf32>
    %broadcast_in_dim3A = vector.shape_cast %rsqrt3A : vector<1280xf32> to vector<1280x1xf32>
    %mul3A = vector.broadcast %broadcast_in_dim3A : vector<1280x1xf32> to vector<1280x256xf32>
    %mul3A_12 = arith.mulf %dot_general3A_11, %mul3A : vector<1280x256xf32>
    %slice3A = vector.extract_strided_slice %mul3A_12 {offsets = [0, 0], sizes = [1280, 128], strides = [1, 1]} : vector<1280x256xf32> to vector<1280x128xf32>
    %swap3A = arith.constant 0 : index
    %swap3A_13 = arith.constant 0 : index
    %swap3A_14 = vector.load %arg4[%swap3A, %swap3A_13] : memref<1280x128xf32, #tpu.memory_space<vmem>>, vector<1280x128xf32>
    tpu.vector_store %arg4[%swap3A, %swap3A_13], %slice3A {strides = array<i32>} : memref<1280x128xf32, #tpu.memory_space<vmem>>, vector<1280x128xf32>,
    %slice3A_15 = vector.extract_strided_slice %mul3A_12 {offsets = [0, 128], sizes = [1280, 128], strides = [1, 1]} : vector<1280x256xf32> to vector<1280x128xf32>
    %swap3A_16 = arith.constant 0 : index
    %swap3A_17 = arith.constant 0 : index
    %swap3A_18 = vector.load %arg5[%swap3A_16, %swap3A_17] : memref<1280x128xf32, #tpu.memory_space<vmem>>, vector<1280x128xf32>
    tpu.vector_store %arg5[%swap3A_16, %swap3A_17], %slice3A_15 {strides = array<i32>} : memref<1280x128xf32, #tpu.memory_space<vmem>>, vector<1280x128xf32>,
    return
  }
  func.func @transform_0(%arg0: i32) -> (i32, i32) {
    %c0_i32 = arith.constant 0 : i32
    %c0_i32_0 = arith.constant 0 : i32
    return %arg0, %c0_i32 : i32, i32
  }
  func.func @transform_1(%arg0: i32) -> (i32, i32) {
    %c0_i32 = arith.constant 0 : i32
    %c0_i32_0 = arith.constant 0 : i32
    return %c0_i32, %arg0 : i32, i32
  }
  func.func @transform_2(%arg0: i32) -> (i32, i32) {
    %c0_i32 = arith.constant 0 : i32
    %c0_i32_0 = arith.constant 0 : i32
    %c0_i32_1 = arith.constant 0 : i32
    return %c0_i32, %c0_i32_0 : i32, i32
  }
  func.func @transform_3(%arg0: i32) -> (i32, i32) {
    %c0_i32 = arith.constant 0 : i32
    %c0_i32_0 = arith.constant 0 : i32
    return %arg0, %c0_i32 : i32, i32
  }
  func.func @transform_4(%arg0: i32) -> (i32, i32) {
    %c0_i32 = arith.constant 0 : i32
    %c0_i32_0 = arith.constant 0 : i32
    return %arg0, %c0_i32 : i32, i32
  }
}

module attributes {stable_mosaic.version = 14 : i64} {
  func.func @_tc2_body(%arg0: i32, %arg1: memref<1280x128xf32, #tpu.memory_space<vmem>>, %arg2: memref<1280x128xf32, #tpu.memory_space<vmem>>, %arg3: memref<32x1280xf32, #tpu.memory_space<vmem>>, %arg4: memref<1x256xf32, #tpu.memory_space<vmem>>, %arg5: memref<256x256xf32, #tpu.memory_space<vmem>>, %arg6: memref<1280x128xf32, #tpu.memory_space<vmem>>, %arg7: memref<1280x128xf32, #tpu.memory_space<vmem>>) attributes {dimension_semantics = [#tpu.dimension_semantics<arbitrary>], iteration_bounds = array<i64: 8>, scalar_prefetch = 0 : i64, scratch_operands = 0 : i64, tpu.core_type = #tpu.core_type<tc>, window_params = [{transform_indices = @transform_0, window_bounds = array<i64: 1280, 128>}, {transform_indices = @transform_1, window_bounds = array<i64: 1280, 128>}, {transform_indices = @transform_2, window_bounds = array<i64: 32, 1280>}, {pipeline_mode = #tpu.pipeline_mode<synchronous>, transform_indices = @transform_3, window_bounds = array<i64: 1, 256>}, {pipeline_mode = #tpu.pipeline_mode<synchronous>, transform_indices = @transform_4, window_bounds = array<i64: 256, 256>}, {transform_indices = @transform_5, window_bounds = array<i64: 1280, 128>}, {transform_indices = @transform_6, window_bounds = array<i64: 1280, 128>}]} {
    %get3A = arith.constant 0 : index
    %get3A_0 = arith.constant 0 : index
    %get3A_1 = vector.load %arg3[%get3A, %get3A_0] : memref<32x1280xf32, #tpu.memory_space<vmem>>, vector<32x1280xf32>
    %reduce_sum3A = arith.constant dense<0.000000e+00> : vector<1280xf32>
    %reduce_sum3A_2 = vector.multi_reduction <add>, %get3A_1, %reduce_sum3A [0] : vector<32x1280xf32> to vector<1280xf32>
    %add3A = arith.constant 1.000000e+00 : f32
    %add3A_3 = vector.broadcast %add3A : f32 to vector<1280xf32>
    %add3A_4 = arith.addf %reduce_sum3A_2, %add3A_3 : vector<1280xf32>
    %rsqrt3A = math.rsqrt %add3A_4 : vector<1280xf32>
    %get3A_5 = arith.constant 0 : index
    %get3A_6 = arith.constant 0 : index
    %get3A_7 = vector.load %arg1[%get3A_5, %get3A_6] : memref<1280x128xf32, #tpu.memory_space<vmem>>, vector<1280x128xf32>
    %get3A_8 = arith.constant 0 : index
    %get3A_9 = arith.constant 0 : index
    %get3A_10 = vector.load %arg2[%get3A_8, %get3A_9] : memref<1280x128xf32, #tpu.memory_space<vmem>>, vector<1280x128xf32>
    %concatenate3A = tpu.concatenate %get3A_7, %get3A_10 in 1 : vector<1280x128xf32>, vector<1280x128xf32> -> vector<1280x256xf32>
    %broadcast_in_dim3A = vector.shape_cast %rsqrt3A : vector<1280xf32> to vector<1280x1xf32>
    %mul3A = vector.broadcast %broadcast_in_dim3A : vector<1280x1xf32> to vector<1280x256xf32>
    %mul3A_11 = arith.mulf %concatenate3A, %mul3A : vector<1280x256xf32>
    %get3A_12 = arith.constant 0 : index
    %get3A_13 = arith.constant 0 : index
    %get3A_14 = vector.load %arg4[%get3A_12, %get3A_13] : memref<1x256xf32, #tpu.memory_space<vmem>>, vector<1x256xf32>
    %add3A_15 = vector.broadcast %get3A_14 : vector<1x256xf32> to vector<1280x256xf32>
    %add3A_16 = arith.addf %mul3A_11, %add3A_15 : vector<1280x256xf32>
    %max3A = arith.constant 0.000000e+00 : f32
    %max3A_17 = vector.broadcast %max3A : f32 to vector<1280x256xf32>
    %max3A_18 = arith.maximumf %add3A_16, %max3A_17 : vector<1280x256xf32>
    %get3A_19 = arith.constant 0 : index
    %get3A_20 = arith.constant 0 : index
    %get3A_21 = vector.load %arg5[%get3A_19, %get3A_20] : memref<256x256xf32, #tpu.memory_space<vmem>>, vector<256x256xf32>
    %dot_general3A = arith.constant dense<0.000000e+00> : vector<1280x256xf32>
    %dot_general3A_22 = tpu.matmul %max3A_18, %get3A_21, %dot_general3A {dimension_numbers = #tpu.dot_dimension_numbers<[1], [0], [0], [1], [0, 0, 1, 1], [], []>, transpose_lhs_hint = false} : vector<1280x256xf32>, vector<256x256xf32>, vector<1280x256xf32> -> vector<1280x256xf32>
    %broadcast_in_dim3A_23 = vector.shape_cast %rsqrt3A : vector<1280xf32> to vector<1280x1xf32>
    %mul3A_24 = vector.broadcast %broadcast_in_dim3A_23 : vector<1280x1xf32> to vector<1280x256xf32>
    %mul3A_25 = arith.mulf %dot_general3A_22, %mul3A_24 : vector<1280x256xf32>
    %slice3A = vector.extract_strided_slice %mul3A_25 {offsets = [0, 0], sizes = [1280, 128], strides = [1, 1]} : vector<1280x256xf32> to vector<1280x128xf32>
    %swap3A = arith.constant 0 : index
    %swap3A_26 = arith.constant 0 : index
    %swap3A_27 = vector.load %arg6[%swap3A, %swap3A_26] : memref<1280x128xf32, #tpu.memory_space<vmem>>, vector<1280x128xf32>
    tpu.vector_store %arg6[%swap3A, %swap3A_26], %slice3A {strides = array<i32>} : memref<1280x128xf32, #tpu.memory_space<vmem>>, vector<1280x128xf32>,
    %slice3A_28 = vector.extract_strided_slice %mul3A_25 {offsets = [0, 128], sizes = [1280, 128], strides = [1, 1]} : vector<1280x256xf32> to vector<1280x128xf32>
    %swap3A_29 = arith.constant 0 : index
    %swap3A_30 = arith.constant 0 : index
    %swap3A_31 = vector.load %arg7[%swap3A_29, %swap3A_30] : memref<1280x128xf32, #tpu.memory_space<vmem>>, vector<1280x128xf32>
    tpu.vector_store %arg7[%swap3A_29, %swap3A_30], %slice3A_28 {strides = array<i32>} : memref<1280x128xf32, #tpu.memory_space<vmem>>, vector<1280x128xf32>,
    return
  }
  func.func @transform_0(%arg0: i32) -> (i32, i32) {
    %c0_i32 = arith.constant 0 : i32
    %c0_i32_0 = arith.constant 0 : i32
    return %arg0, %c0_i32 : i32, i32
  }
  func.func @transform_1(%arg0: i32) -> (i32, i32) {
    %c0_i32 = arith.constant 0 : i32
    %c0_i32_0 = arith.constant 0 : i32
    return %arg0, %c0_i32 : i32, i32
  }
  func.func @transform_2(%arg0: i32) -> (i32, i32) {
    %c0_i32 = arith.constant 0 : i32
    %c0_i32_0 = arith.constant 0 : i32
    return %c0_i32, %arg0 : i32, i32
  }
  func.func @transform_3(%arg0: i32) -> (i32, i32) {
    %c0_i32 = arith.constant 0 : i32
    %c0_i32_0 = arith.constant 0 : i32
    %c0_i32_1 = arith.constant 0 : i32
    return %c0_i32, %c0_i32_0 : i32, i32
  }
  func.func @transform_4(%arg0: i32) -> (i32, i32) {
    %c0_i32 = arith.constant 0 : i32
    %c0_i32_0 = arith.constant 0 : i32
    %c0_i32_1 = arith.constant 0 : i32
    return %c0_i32, %c0_i32_0 : i32, i32
  }
  func.func @transform_5(%arg0: i32) -> (i32, i32) {
    %c0_i32 = arith.constant 0 : i32
    %c0_i32_0 = arith.constant 0 : i32
    return %arg0, %c0_i32 : i32, i32
  }
  func.func @transform_6(%arg0: i32) -> (i32, i32) {
    %c0_i32 = arith.constant 0 : i32
    %c0_i32_0 = arith.constant 0 : i32
    return %arg0, %c0_i32 : i32, i32
  }
}

module attributes {stable_mosaic.version = 14 : i64} {
  func.func @_tc3_body(%arg0: i32, %arg1: memref<1280x128xf32, #tpu.memory_space<vmem>>, %arg2: memref<1280x128xf32, #tpu.memory_space<vmem>>, %arg3: memref<32x1280xf32, #tpu.memory_space<vmem>>, %arg4: memref<1x256xf32, #tpu.memory_space<vmem>>, %arg5: memref<256x128xf32, #tpu.memory_space<vmem>>, %arg6: memref<1x128xf32, #tpu.memory_space<vmem>>, %arg7: memref<1280x128xf32, #tpu.memory_space<vmem>>) attributes {dimension_semantics = [#tpu.dimension_semantics<arbitrary>], iteration_bounds = array<i64: 8>, scalar_prefetch = 0 : i64, scratch_operands = 0 : i64, tpu.core_type = #tpu.core_type<tc>, window_params = [{transform_indices = @transform_0, window_bounds = array<i64: 1280, 128>}, {transform_indices = @transform_1, window_bounds = array<i64: 1280, 128>}, {transform_indices = @transform_2, window_bounds = array<i64: 32, 1280>}, {pipeline_mode = #tpu.pipeline_mode<synchronous>, transform_indices = @transform_3, window_bounds = array<i64: 1, 256>}, {pipeline_mode = #tpu.pipeline_mode<synchronous>, transform_indices = @transform_4, window_bounds = array<i64: 256, 128>}, {pipeline_mode = #tpu.pipeline_mode<synchronous>, transform_indices = @transform_5, window_bounds = array<i64: 1, 128>}, {transform_indices = @transform_6, window_bounds = array<i64: 1280, 128>}]} {
    %get3A = arith.constant 0 : index
    %get3A_0 = arith.constant 0 : index
    %get3A_1 = vector.load %arg3[%get3A, %get3A_0] : memref<32x1280xf32, #tpu.memory_space<vmem>>, vector<32x1280xf32>
    %reduce_sum3A = arith.constant dense<0.000000e+00> : vector<1280xf32>
    %reduce_sum3A_2 = vector.multi_reduction <add>, %get3A_1, %reduce_sum3A [0] : vector<32x1280xf32> to vector<1280xf32>
    %add3A = arith.constant 1.000000e+00 : f32
    %add3A_3 = vector.broadcast %add3A : f32 to vector<1280xf32>
    %add3A_4 = arith.addf %reduce_sum3A_2, %add3A_3 : vector<1280xf32>
    %rsqrt3A = math.rsqrt %add3A_4 : vector<1280xf32>
    %get3A_5 = arith.constant 0 : index
    %get3A_6 = arith.constant 0 : index
    %get3A_7 = vector.load %arg1[%get3A_5, %get3A_6] : memref<1280x128xf32, #tpu.memory_space<vmem>>, vector<1280x128xf32>
    %get3A_8 = arith.constant 0 : index
    %get3A_9 = arith.constant 0 : index
    %get3A_10 = vector.load %arg2[%get3A_8, %get3A_9] : memref<1280x128xf32, #tpu.memory_space<vmem>>, vector<1280x128xf32>
    %concatenate3A = tpu.concatenate %get3A_7, %get3A_10 in 1 : vector<1280x128xf32>, vector<1280x128xf32> -> vector<1280x256xf32>
    %broadcast_in_dim3A = vector.shape_cast %rsqrt3A : vector<1280xf32> to vector<1280x1xf32>
    %mul3A = vector.broadcast %broadcast_in_dim3A : vector<1280x1xf32> to vector<1280x256xf32>
    %mul3A_11 = arith.mulf %concatenate3A, %mul3A : vector<1280x256xf32>
    %get3A_12 = arith.constant 0 : index
    %get3A_13 = arith.constant 0 : index
    %get3A_14 = vector.load %arg4[%get3A_12, %get3A_13] : memref<1x256xf32, #tpu.memory_space<vmem>>, vector<1x256xf32>
    %add3A_15 = vector.broadcast %get3A_14 : vector<1x256xf32> to vector<1280x256xf32>
    %add3A_16 = arith.addf %mul3A_11, %add3A_15 : vector<1280x256xf32>
    %get3A_17 = arith.constant 0 : index
    %get3A_18 = arith.constant 0 : index
    %get3A_19 = vector.load %arg5[%get3A_17, %get3A_18] : memref<256x128xf32, #tpu.memory_space<vmem>>, vector<256x128xf32>
    %dot_general3A = arith.constant dense<0.000000e+00> : vector<1280x128xf32>
    %dot_general3A_20 = tpu.matmul %add3A_16, %get3A_19, %dot_general3A {dimension_numbers = #tpu.dot_dimension_numbers<[1], [0], [0], [1], [0, 0, 1, 1], [], []>, transpose_lhs_hint = false} : vector<1280x256xf32>, vector<256x128xf32>, vector<1280x128xf32> -> vector<1280x128xf32>
    %get3A_21 = arith.constant 0 : index
    %get3A_22 = arith.constant 0 : index
    %get3A_23 = vector.load %arg6[%get3A_21, %get3A_22] : memref<1x128xf32, #tpu.memory_space<vmem>>, vector<1x128xf32>
    %add3A_24 = vector.broadcast %get3A_23 : vector<1x128xf32> to vector<1280x128xf32>
    %add3A_25 = arith.addf %dot_general3A_20, %add3A_24 : vector<1280x128xf32>
    %logistic3A = arith.negf %add3A_25 : vector<1280x128xf32>
    %logistic3A_26 = math.exp %logistic3A : vector<1280x128xf32>
    %logistic3A_27 = arith.constant 1.000000e+00 : f32
    %logistic3A_28 = vector.broadcast %logistic3A_27 : f32 to vector<1280x128xf32>
    %logistic3A_29 = arith.addf %logistic3A_28, %logistic3A_26 : vector<1280x128xf32>
    %logistic3A_30 = arith.divf %logistic3A_28, %logistic3A_29 : vector<1280x128xf32>
    %swap3A = arith.constant 0 : index
    %swap3A_31 = arith.constant 0 : index
    %swap3A_32 = vector.load %arg7[%swap3A, %swap3A_31] : memref<1280x128xf32, #tpu.memory_space<vmem>>, vector<1280x128xf32>
    tpu.vector_store %arg7[%swap3A, %swap3A_31], %logistic3A_30 {strides = array<i32>} : memref<1280x128xf32, #tpu.memory_space<vmem>>, vector<1280x128xf32>,
    return
  }
  func.func @transform_0(%arg0: i32) -> (i32, i32) {
    %c0_i32 = arith.constant 0 : i32
    %c0_i32_0 = arith.constant 0 : i32
    return %arg0, %c0_i32 : i32, i32
  }
  func.func @transform_1(%arg0: i32) -> (i32, i32) {
    %c0_i32 = arith.constant 0 : i32
    %c0_i32_0 = arith.constant 0 : i32
    return %arg0, %c0_i32 : i32, i32
  }
  func.func @transform_2(%arg0: i32) -> (i32, i32) {
    %c0_i32 = arith.constant 0 : i32
    %c0_i32_0 = arith.constant 0 : i32
    return %c0_i32, %arg0 : i32, i32
  }
  func.func @transform_3(%arg0: i32) -> (i32, i32) {
    %c0_i32 = arith.constant 0 : i32
    %c0_i32_0 = arith.constant 0 : i32
    %c0_i32_1 = arith.constant 0 : i32
    return %c0_i32, %c0_i32_0 : i32, i32
  }
  func.func @transform_4(%arg0: i32) -> (i32, i32) {
    %c0_i32 = arith.constant 0 : i32
    %c0_i32_0 = arith.constant 0 : i32
    %c0_i32_1 = arith.constant 0 : i32
    return %c0_i32, %c0_i32_0 : i32, i32
  }
  func.func @transform_5(%arg0: i32) -> (i32, i32) {
    %c0_i32 = arith.constant 0 : i32
    %c0_i32_0 = arith.constant 0 : i32
    %c0_i32_1 = arith.constant 0 : i32
    return %c0_i32, %c0_i32_0 : i32, i32
  }
  func.func @transform_6(%arg0: i32) -> (i32, i32) {
    %c0_i32 = arith.constant 0 : i32
    %c0_i32_0 = arith.constant 0 : i32
    return %arg0, %c0_i32 : i32, i32
  }
}

</mosaic_0001>

<sc_bundles>
// kernel: kernel.11.cloned.1.call-start
scs
__scs_entry_jumppad:
0x0: {  	(pc) =	sbr.rel $0x88, $3  }
0x1: {  	(tag) =	ssettag $0x0;
	lr =	simm.s32 $0x1  }
0x2: {  	[smem:$0x3F99] =	sst lr;
	_ =	strace $0xD0000000  }
0x3: {  	_ = 	snop  }
0x4: {  	_ = 	snop  }
0x5: {  	_ = 	snop  }
0x6: {  	_ = 	snop  }
0x7: {  	_ = 	snop  }
__scs_overlays_trampoline_lowered:
0x8: {  	[smem:$0x3FA8] =	sst s0  }
0x9: {  	[smem:$0x3FA9] =	sst s1  }
0xa: {  	[smem:$0x3FAA] =	sst s2  }
0xb: {  	[smem:$0x3FAB] =	sst s3  }
0xc: {  	[smem:$0x3FAC] =	sst s4  }
0xd: {  	[smem:$0x3FAD] =	sst s5  }
0xe: {  	[smem:$0x3FAE] =	sst s6  }
0xf: {  	[smem:$0x3FAF] =	sst s7  }
0x10: {  	[smem:$0x3FB0] =	sst s8  }
0x11: {  	[smem:$0x3FB1] =	sst s9;
	s0 =	simm.s32 @!p0 $0x0  }
0x12: {  	s1 =	sld [smem:$0x3F97];
	s0 =	simm.s32 @p0 $0x1  }
0x13: {  	[smem:$0x3FB2] =	sst s0;
	s0 =	simm.s32 @!p1 $0x0  }
0x14: {  	s2 =	sld [smem:$0x3F96];
	s0 =	simm.s32 @p1 $0x1  }
0x15: {  	[smem:$0x3FB3] =	sst s0;
	s0 =	simm.s32 @!p2 $0x0  }
0x16: {  	s3 =	sld [smem:$0x3FDB];
	s0 =	simm.s32 @p2 $0x1  }
0x17: {  	s4 =	simm.s32 $0x1BF5;
	[smem:$0x3FB5] =	sst s0  }
0x18: {  	s0 =	sld [smem:$0x3F98];
	_ =	swait.ge [sflag:s4], $0x0  }
0x19: {  	s7 =	sld [smem:$0x3F99]  }
0x1a: {  	s8 =	sadd.s32 $0xFFFFE003, lr  }
0x1b: {  	s9 =	sadd.s32 $0xFFFFFEF7, lr;
	s5 =	simm.s32 $0xFFFFFFFF;
	p2 =	slt.u32 s8, $0xFFFFF086  }
0x1c: {  	p1 =	slt.u32 s9, $0xF7A;
	s5 =	simm.s32 @!p2 $0x0  }
0x1d: {  	s5 =	simm.s32 @p1 $0x1;
	p0 =	seq.s32 s7, s2  }
0x1e: {  	s7 =	smul.u32 @!p0 $0xF7A, s2;
	p2 =	seq.s32 @!p0 s5, $0x0  }
0x1f: {  	s9 =	smul.u32 $0xF7A, s1;
	s8 =	simm.s32 @!p0 $0x1BF5;
	p2 =	por !p2, p0  }
0x20: {  	[sflag:s8] =	ssyncset.s32 @!p0 $0xFFFFF086;
	s6 =	sadd.s32 @!p0 s3, s7;
	s7 =	simm.s32 @!p0 $0x108  }
0x21: {  	s3 =	sadd.s32 s3, s9;
	s6 =	sadd.s32 @!p0 $0x88, s6;
	s7 =	simm.s32 @p2 $0x1082  }
0x22: {  	[simem:s7], [sflag:s8] =	dma.local @!p0 [hbm:s6], $0xF7A  }
0x23: {  	s9 =	sor.u32 $0xD0000000, s2;
	s6 =	simm.s32 $0x108;
	_ =	swait.ge @!p0 [sflag:s8], $0x0  }
0x24: {  	s3 =	sadd.s32 $0x88, s3;
	s6 =	simm.s32 @!p1 $0x1082;
	[sflag:s4] =	ssyncset.s32 $0xFFFFF086  }
0x25: {  	[simem:s6], [sflag:s4] =	dma.local [hbm:s3], $0xF7A  }
0x26: {  	[smem:$0x3F99] =	sst s1;
	(tag) =	ssettag s2;
	_ =	strace s9  }
0x27: {  	s1 =	sld [smem:$0x3FA9]  }
0x28: {  	s2 =	sld [smem:$0x3FAA]  }
0x29: {  	s4 =	sld [smem:$0x3FAC]  }
0x2a: {  	p0 =	seq.s32 s5, $0x0;
	s5 =	sld [smem:$0x3FAD]  }
0x2b: {  	s6 =	sld [smem:$0x3FAE]  }
0x2c: {  	s7 =	sld [smem:$0x3FAF]  }
0x2d: {  	s3 =	simm.s32 $0x108;
	s8 =	sld [smem:$0x3FB0]  }
0x2e: {  	s3 =	simm.s32 @!p0 $0x1082;
	s9 =	sld [smem:$0x3FB1]  }
0x2f: {  	lr =	sadd.s32 s0, s3;
	s0 =	sld [smem:$0x3FA8]  }
0x30: {  	s3 =	sld [smem:$0x3FAB]  }
0x31: {  	[smem:$0x3FB4] =	sst s10  }
0x32: {  	s10 =	sld [smem:$0x3FB2];
	_ =	sdelay $0x3  }
0x33: {  	p0 =	seq.s32 s10, $0x1;
	s10 =	sld [smem:$0x3FB4];
	_ =	sdelay $0x3  }
0x34: {  	[smem:$0x3FB4] =	sst s10  }
0x35: {  	s10 =	sld [smem:$0x3FB3];
	_ =	sdelay $0x3  }
0x36: {  	p1 =	seq.s32 s10, $0x1;
	s10 =	sld [smem:$0x3FB4];
	_ =	sdelay $0x3  }
0x37: {  	[smem:$0x3FB4] =	sst s10  }
0x38: {  	s10 =	sld [smem:$0x3FB5]  }
0x39: {  	_ = 	snop;
	(pc) =	sbr.ind lr, $3  }
0x3a: {  	_ = 	snop  }
0x3b: {  	_ = 	snop  }
0x3c: {  	p2 =	seq.s32 s10, $0x1;
	s10 =	sld [smem:$0x3FB4]  }
0x3d: {  	_ =	shalt  }
0x3e: {  	_ =	shalt  }
0x3f: {  	_ =	shalt  }
0x40: {  	_ =	shalt  }
0x41: {  	_ =	shalt  }
0x42: {  	_ =	shalt  }
0x43: {  	_ =	shalt  }
0x44: {  	_ =	shalt  }
0x45: {  	_ =	shalt  }
0x46: {  	_ =	shalt  }
0x47: {  	_ =	shalt  }
0x48: {  	_ =	shalt  }
0x49: {  	_ =	shalt  }
0x4a: {  	_ =	shalt  }
0x4b: {  	_ =	shalt  }
0x4c: {  	_ =	shalt  }
0x4d: {  	_ =	shalt  }
0x4e: {  	_ =	shalt  }
0x4f: {  	_ =	shalt  }
0x50: {  	_ =	shalt  }
0x51: {  	_ =	shalt  }
0x52: {  	_ =	shalt  }
0x53: {  	_ =	shalt  }
0x54: {  	_ =	shalt  }
0x55: {  	_ =	shalt  }
0x56: {  	_ =	shalt  }
0x57: {  	_ =	shalt  }
0x58: {  	_ =	shalt  }
0x59: {  	_ =	shalt  }
0x5a: {  	_ =	shalt  }
0x5b: {  	_ =	shalt  }
0x5c: {  	_ =	shalt  }
0x5d: {  	_ =	shalt  }
0x5e: {  	_ =	shalt  }
0x5f: {  	_ =	shalt  }
0x60: {  	_ =	shalt  }
0x61: {  	_ =	shalt  }
0x62: {  	_ =	shalt  }
0x63: {  	_ =	shalt  }
0x64: {  	_ =	shalt  }
0x65: {  	_ =	shalt  }
0x66: {  	_ =	shalt  }
0x67: {  	_ =	shalt  }
0x68: {  	_ =	shalt  }
0x69: {  	_ =	shalt  }
0x6a: {  	_ =	shalt  }
0x6b: {  	_ =	shalt  }
0x6c: {  	_ =	shalt  }
0x6d: {  	_ =	shalt  }
0x6e: {  	_ =	shalt  }
0x6f: {  	_ =	shalt  }
0x70: {  	_ =	shalt  }
0x71: {  	_ =	shalt  }
0x72: {  	_ =	shalt  }
0x73: {  	_ =	shalt  }
0x74: {  	_ =	shalt  }
0x75: {  	_ =	shalt  }
0x76: {  	_ =	shalt  }
0x77: {  	_ =	shalt  }
0x78: {  	_ =	shalt  }
0x79: {  	_ =	shalt  }
0x7a: {  	_ =	shalt  }
0x7b: {  	_ =	shalt  }
0x7c: {  	_ =	shalt  }
0x7d: {  	_ =	shalt  }
0x7e: {  	_ =	shalt  }
0x7f: {  	_ =	shalt  }
0x80: {  	_ =	shalt  }
0x81: {  	_ =	shalt  }
0x82: {  	_ =	shalt  }
0x83: {  	_ =	shalt  }
0x84: {  	_ =	shalt  }
0x85: {  	_ =	shalt  }
0x86: {  	_ =	shalt  }
0x87: {  	_ =	shalt  }
.Lfunc_end0:
.L_simem_size_0:
called_computation.1_lowered:
.L_overlay_start_0:
0x88: {  	s2 =	sld [smem:$0x3FD9]  }
0x89: {  	s3 =	sld [smem:$0x3FFE];
	_ =	sdelay $0x1  }
0x8a: {  	s1 =	srdreg.scid  }
0x8b: {  	s0 =	sand.u32 $0x1, s1  }
0x8c: {  	s16 =	sshll.u32 s0, $0xA;
	s2 =	sadd.s32 s3, s2  }
0x8d: {  	s2 =	sadd.s32 s2, s16  }
0x8e: {  	[smem:$0x3FC0] =	sst s2  }
0x8f: {  	_ = 	snop  }
0x90: {  	(tm) =	ssettm $0x1  }
0x91: {  	s17 =	sld [smem:$0x3FFB];
	_ =	sdelay $0x3  }
0x92: {  	_ =	strace s17  }
0x93: {  	s2 =	sld [smem:$0x3FFC];
	_ =	sdelay $0x3  }
0x94: {  	_ =	strace s2  }
0x95: {  	s2 =	sld [smem:$0x3FFD];
	_ =	sdelay $0x3  }
0x96: {  	_ =	strace s2  }
0x97: {  	_ =	strace $0x8FFFFFFF  }
0x98: {  	s18 =	sld [smem:$0x3FDB];
	_ =	sdelay $0x1  }
0x99: {  	s19 =	simm.s32 $_scs_section_size  }
0x9a: {  	s4 =	simm.s32 $_size__tile_overlayer_lowered;
	s5 =	simm.s32 $_tile_overlayer_lowered  }
0x9b: {  	s22 =	simm.s32 $0x1BFF;
	s21 =	sshll.u32 s5, $0x1;
	s2 =	sadd.s32 s19, s18  }
0x9c: {  	s6 =	simm.s32 $0x0;
	s20 =	sshll.u32 s4, $0x1;
	s4 =	sadd.s32 s21, s2  }
0x9d: {  	[timem:s6], [sflag:s22] =	dma.local [hbm:s4], s20  }
0x9e: {  	_ =	swait.ge [sflag:s22], s20  }
0x9f: {  	s3 =	ssub.s32 $0x0, s20;
	[sflag:s22] =	ssyncset.done $0x0  }
0xa0: {  	[sflag:s22] =	ssyncadd.s32 s3;
	_ =	sdelay $0x1  }
0xa1: {  	s23 =	simm.s32 $0x1B8B  }
0xa2: {  	_ =	swait.ge [sflag:s23], $0x1  }
0xa3: {  	[sflag:s23] =	ssyncset.done $0x0  }
0xa4: {  	s25 =	simm.s32 $0x1B8E;
	s24 =	sld [smem:$0x3FFE];
	[sflag:s23] =	ssyncadd.s32 $0xFFFFFFFF  }
0xa5: {  	s26 =	simm.s32 $execute0_lowered;
	[smem:$0x3FD2] =	sst s25  }
0xa6: {  	s4 =	sshll.u32 s26, $0x1;
	_ =	strace $0x80000049;
	[dreg:$0x1] =	wrdreg $0xFFFFFFFF  }
0xa7: {  	s28 =	simm.s32 $_size_execute0_lowered;
	s2 =	sadd.s32 s2, s4;
	[dreg:$0x0] =	wrdreg $0x0  }
0xa8: {  	s4 =	sshll.u32 s28, $0x1;
	[dreg:$0x2] =	wrdreg s2  }
0xa9: {  	[dreg:$0x3] =	wrdreg s4  }
0xaa: {  	[dreg:$0x4] =	wrdreg $0xC0  }
0xab: {  	_ =	task [dreg:s6], $0x5FFFF  }
0xac: {  	[dreg:$0x1] =	wrdreg $0xFFFFFFFF  }
0xad: {  	[dreg:$0x0] =	wrdreg $0x60  }
0xae: {  	[dreg:$0x2] =	wrdreg s24  }
0xaf: {  	[dreg:$0x3] =	wrdreg $0xBC000  }
0xb0: {  	[dreg:$0x4] =	wrdreg $0x9  }
0xb1: {  	_ =	task.clear_ibuf [dreg:s6], $0x5FFFF;
	_ =	strace $0x90000049  }
0xb2: {  	s29 =	simm.s32 $0x9;
	_ =	strace $0x8000004B  }
0xb3: {  	_ =	swait.ge [sflag:s29], $0x1  }
0xb4: {  	[sflag:s29] =	ssyncadd.s32 $0xFFFFFFFF  }
0xb5: {  	_ =	strace $0x9000004B  }
0xb6: {  	_ =	sfence  }
0xb7: {  	s30 =	sld [smem:$0x0];
	_ =	sdelay $0x2  }
0xb8: {  	s31 =	sshll.u32 s1, $0xD;
	s1 =	sshrl.u32 s1, $0x2  }
0xb9: {  	s3 =	sand.u32 $0x4000, s31;
	s1 =	sadd.s32 s1, s30  }
0xba: {  	s0 =	sor.u32 s3, s0;
	s1 =	sshll.u32 s1, $0x11  }
0xbb: {  	s0 =	sor.u32 s1, s0  }
0xbc: {  	s0 =	sadd.s32 $0x8F2B, s0  }
0xbd: {  	[sflag:s0] =	ssyncadd.remote.s32 $0x1  }
0xbe: {  	_ =	sfence.sel $0xFFFF  }
0xbf: {  	[dreg:$0x0] =	wrdreg $0xFFFFFFFF;
	(pc) =	sbr.abs _section_cstart, $3  }
0xc0: {  	[dreg:$0x1] =	wrdreg $0xFFFFFFFF  }
0xc1: {  	_ =	task.clear_ibuf [dreg:s6], $0x2FFFF;
	_ =	strace $0x9FFFFFFF  }
0xc2: {  	(tm) =	ssettm $0x7FFFFFFF  }
0xc3: {  	_ =	shalt  }
tec
execute0_lowered:
.L_overlay_start_1:
0x0: {  	(tag) =	ssettag $0x1  }
0x1: {  	s1 =	srdreg.scid  }
0x2: {  	s0 =	stileid.u32;
	s5 =	rddreg [dreg:$0x0]  }
0x3: {  	s2 =	rddreg [dreg:$0x1];
	s3 =	simm.s32 $0x0;
	s14 =	simm.s32 $0x1400  }
0x4: {  	s15 =	simm.s32 $0x80;
	s16 =	simm.s32 $0x3C00;
	s17 =	simm.s32 $0x7C00  }
0x5: {  	s18 =	simm.s32 $0x1;
	s19 =	simm.s32 $0x2;
	s20 =	simm.s32 $0x3  }
0x6: {  	s21 =	simm.s32 $0x4;
	s22 =	simm.s32 $0x2700;
	s7 =	smul.u32 $0x2800, s0  }
0x7: {  	s23 =	simm.s32 $0x2780;
	s24 =	simm.s32 $0x3B00;
	s10 =	smul.u32 $0x280, s0  }
0x8: {  	s25 =	simm.s32 $0x3B80;
	s6 =	sand.u32 $0x1, s1;
	s29 =	smul.u32 $0x50000, s0  }
0x9: {  	s26 =	simm.s32 $0x0;
	s1 =	rddreg [dreg:$0x2];
	s4 =	smul.u32 $0x28000, s6  }
0xa: {  	[smem:$0x7FF] =	sst s3;
	s8 =	smul.u32 $0x2800, s6;
	s6 =	ssub.s32 $0x2, s6  }
0xb: {  	s31 =	sshll.u32 s0, $0x6;
	_ =	strace $0x8000004A;
	s11 =	sshrl.u32 s6, $0x1  }
0xc: {  	s30 =	sshrl.u32 s29, $0x2;
	s4 =	sadd.s32 s7, s4;
	s7 =	sshrl.u32 s7, $0x3  }
0xd: {  	s8 =	sadd.s32 s10, s8;
	s11 =	ssub.s32 s6, s11;
	s13 =	sadd.s32 s30, s2  }
0xe: {  	s6 =	sor.u32 $0x1C05, s31;
	s9 =	sshrl.u32 s4, $0x3;
	s4 =	sadd.s32 $0x1FC00, s5  }
0xf: {  	s7 =	sadd.s32 s7, s5;
	s8 =	sshll.u32 s8, $0x4;
	s11 =	smax.u32 s11, $0x1  }
0x10: {  	s9 =	sadd.s32 s9, s5;
	s12 =	sadd.s32 s8, s5;
	s5 =	sadd.s32 s4, s8  }
0x11: {  	s7 =	sadd.s32 $0x1C00, s7;
	s8 =	sadd.s32 $0x15C00, s9;
	s9 =	sadd.s32 $0x15E80, s9  }
0x12: {  	s10 =	sadd.s32 $0x6FC00, s12;
	s12 =	sshrl.u32 s13, $0x3;
	s13 =	simm.s32 $0x5  }
.LBB2_1:
0x13: {  	[spmem:s12], [sflag:s6] =	dma.local [hbm:s5], $0x2800  }
0x14: {  	_ =	swait.ge [sflag:s13], $0x2800  }
0x15: {  	[sflag:s13] =	ssyncset.done $0x0  }
0x16: {  	[sflag:s13] =	ssyncadd.s32 $0xFFFFD800  }
0x17: {  	[bflag:$0x0] =	sbarrier.arrive $0xFFFF  }
0x18: {  	[tilespmem:s14], [sflag:$0x5] =	stream.linear.gather [hbm4b:s7+s3], $0x2800, $0x38;
	[tilespmem:$0x1FC00] =	vst v63  }
0x19: {  	_ =	swait.ge [sflag:s13], $0x2800  }
0x1a: {  	[sflag:s13] =	ssyncset.done $0x0  }
0x1b: {  	[sflag:s13] =	ssyncadd.s32 $0xFFFFD800  }
0x1c: {  	[tilespmem:s3], [sflag:$0x5] =	stream.linear.gather [hbm4b:s8+s3], $0x1400, $0x38;
	[tilespmem:$0x1FC00] =	vst v63  }
0x1d: {  	_ =	swait.ge [sflag:s13], $0x1400  }
0x1e: {  	[sflag:s13] =	ssyncset.done $0x0  }
0x1f: {  	[sflag:s13] =	ssyncadd.s32 $0xFFFFEC00  }
0x20: {  	[tilespmem:s16], [sflag:$0x1] =	stream.indirect.gather [hbm4b:s4+s15], $0x80, s3, s15, $0xb8;
	[tilespmem:$0x1FC00] =	vst v63  }
0x21: {  	_ = 	snop  }
0x22: {  	[tilespmem:s17], [sflag:$0x2] =	stream.indirect.gather [hbm4b:s4+s15], $0x80, s15, s15, $0xb8;
	[tilespmem:$0x1FC00] =	vst v63  }
0x23: {  	_ =	swait.ge [sflag:s18], $0x4000  }
0x24: {  	[sflag:s18] =	ssyncset.done $0x0  }
0x25: {  	s28 =	simm.s32 $0x1400;
	[sflag:s18] =	ssyncadd.s32 $0xFFFFC000  }
0x26: {  	[spmem:s2] =	stream.indirect.scatter.add.f32 [tilespmem:s16], [sflag:$0x3], $0x80, s28, s15, $0xb8;
	[tilespmem:$0x1FC00] =	vst v63  }
0x27: {  	_ =	swait.ge [sflag:s19], $0x4000  }
0x28: {  	[sflag:s19] =	ssyncset.done $0x0  }
0x29: {  	s28 =	simm.s32 $0x1480;
	[sflag:s19] =	ssyncadd.s32 $0xFFFFC000  }
0x2a: {  	[spmem:s2] =	stream.indirect.scatter.add.f32 [tilespmem:s17], [sflag:$0x4], $0x80, s28, s15, $0xb8;
	[tilespmem:$0x1FC00] =	vst v63  }
0x2b: {  	_ =	swait.ge [sflag:s20], $0x4000  }
0x2c: {  	[sflag:s20] =	ssyncset.done $0x0  }
0x2d: {  	s28 =	simm.s32 $0x100;
	[sflag:s20] =	ssyncadd.s32 $0xFFFFC000  }
0x2e: {  	[tilespmem:s16], [sflag:$0x1] =	stream.indirect.gather [hbm4b:s4+s15], $0x80, s28, s15, $0xb8;
	[tilespmem:$0x1FC00] =	vst v63  }
0x2f: {  	_ =	swait.ge [sflag:s21], $0x4000  }
0x30: {  	[sflag:s21] =	ssyncset.done $0x0  }
0x31: {  	s29 =	simm.s32 $0x180;
	s28 =	simm.s32 $0x400;
	[sflag:s21] =	ssyncadd.s32 $0xFFFFC000  }
.LBB2_2:
0x32: {  	[tilespmem:s17], [sflag:$0x2] =	stream.indirect.gather [hbm4b:s4+s15], $0x80, s29, s15, $0xb8;
	[tilespmem:$0x1FC00] =	vst v63  }
0x33: {  	s29 =	smov.u32 s28  }
0x34: {  	p0 =	sne.s32 s28, $0x4800;
	s28 =	sadd.s32 $0x400, s28;
	_ =	swait.ge [sflag:s18], $0x4000  }
0x35: {  	s29 =	sshra.s32 s29, $0x2;
	[sflag:s18] =	ssyncset.done $0x0  }
0x36: {  	s30 =	sadd.s32 $0x1400, s29;
	[sflag:s18] =	ssyncadd.s32 $0xFFFFC000  }
0x37: {  	[spmem:s2] =	stream.indirect.scatter.add.f32 [tilespmem:s16], [sflag:$0x3], $0x80, s30, s15, $0xb8;
	[tilespmem:$0x1FC00] =	vst v63  }
0x38: {  	_ =	swait.ge [sflag:s19], $0x4000  }
0x39: {  	[sflag:s19] =	ssyncset.done $0x0  }
0x3a: {  	s30 =	sadd.s32 $0x1480, s29;
	[sflag:s19] =	ssyncadd.s32 $0xFFFFC000  }
0x3b: {  	[spmem:s2] =	stream.indirect.scatter.add.f32 [tilespmem:s17], [sflag:$0x4], $0x80, s30, s15, $0xb8;
	[tilespmem:$0x1FC00] =	vst v63  }
0x3c: {  	_ =	swait.ge [sflag:s20], $0x4000  }
0x3d: {  	[sflag:s20] =	ssyncset.done $0x0  }
.Ltmp0:
0x3e: {  	s30 =	sadd.s32 $0x100, s29;
	[sflag:s20] =	ssyncadd.s32 $0xFFFFC000;
	(pc) =	sbr.rel @p0 .LBB2_2-.Ltmp0, $4  }
0x3f: {  	[tilespmem:s16], [sflag:$0x1] =	stream.indirect.gather [hbm4b:s4+s15], $0x80, s30, s15, $0xb8;
	[tilespmem:$0x1FC00] =	vst v63  }
0x40: {  	_ =	swait.ge [sflag:s21], $0x4000  }
0x41: {  	[sflag:s21] =	ssyncset.done $0x0  }
0x42: {  	s29 =	sadd.s32 $0x180, s29;
	[sflag:s21] =	ssyncadd.s32 $0xFFFFC000  }
0x43: {  	[tilespmem:s17], [sflag:$0x2] =	stream.indirect.gather [hbm4b:s4+s15], $0x80, s29, s15, $0xb8;
	[tilespmem:$0x1FC00] =	vst v63  }
0x44: {  	_ =	swait.ge [sflag:s18], $0x4000  }
0x45: {  	[sflag:s18] =	ssyncset.done $0x0  }
0x46: {  	[sflag:s18] =	ssyncadd.s32 $0xFFFFC000  }
0x47: {  	[spmem:s2] =	stream.indirect.scatter.add.f32 [tilespmem:s16], [sflag:$0x3], $0x80, s22, s15, $0xb8;
	[tilespmem:$0x1FC00] =	vst v63  }
0x48: {  	_ =	swait.ge [sflag:s19], $0x4000  }
0x49: {  	[sflag:s19] =	ssyncset.done $0x0  }
0x4a: {  	[sflag:s19] =	ssyncadd.s32 $0xFFFFC000  }
0x4b: {  	[spmem:s2] =	stream.indirect.scatter.add.f32 [tilespmem:s17], [sflag:$0x4], $0x80, s23, s15, $0xb8;
	[tilespmem:$0x1FC00] =	vst v63  }
0x4c: {  	_ =	swait.ge [sflag:s20], $0x4000  }
0x4d: {  	[sflag:s20] =	ssyncset.done $0x0  }
0x4e: {  	[sflag:s20] =	ssyncadd.s32 $0xFFFFC000  }
0x4f: {  	_ =	swait.ge [sflag:s21], $0x4000  }
0x50: {  	[sflag:s21] =	ssyncset.done $0x0  }
0x51: {  	[sflag:s21] =	ssyncadd.s32 $0xFFFFC000  }
0x52: {  	[tilespmem:s3], [sflag:$0x5] =	stream.linear.gather [hbm4b:s9+s3], $0x1400, $0x38;
	[tilespmem:$0x1FC00] =	vst v63  }
0x53: {  	_ =	swait.ge [sflag:s13], $0x1400  }
0x54: {  	[sflag:s13] =	ssyncset.done $0x0  }
0x55: {  	[sflag:s13] =	ssyncadd.s32 $0xFFFFEC00  }
0x56: {  	[tilespmem:s16], [sflag:$0x1] =	stream.indirect.gather [hbm4b:s4+s15], $0x80, s3, s15, $0xb8;
	[tilespmem:$0x1FC00] =	vst v63  }
0x57: {  	_ = 	snop  }
0x58: {  	[tilespmem:s17], [sflag:$0x2] =	stream.indirect.gather [hbm4b:s4+s15], $0x80, s15, s15, $0xb8;
	[tilespmem:$0x1FC00] =	vst v63  }
0x59: {  	_ =	swait.ge [sflag:s18], $0x4000  }
0x5a: {  	[sflag:s18] =	ssyncset.done $0x0  }
0x5b: {  	s28 =	simm.s32 $0x2800;
	[sflag:s18] =	ssyncadd.s32 $0xFFFFC000  }
0x5c: {  	[spmem:s2] =	stream.indirect.scatter.add.f32 [tilespmem:s16], [sflag:$0x3], $0x80, s28, s15, $0xb8;
	[tilespmem:$0x1FC00] =	vst v63  }
0x5d: {  	_ =	swait.ge [sflag:s19], $0x4000  }
0x5e: {  	[sflag:s19] =	ssyncset.done $0x0  }
0x5f: {  	s28 =	simm.s32 $0x2880;
	[sflag:s19] =	ssyncadd.s32 $0xFFFFC000  }
0x60: {  	[spmem:s2] =	stream.indirect.scatter.add.f32 [tilespmem:s17], [sflag:$0x4], $0x80, s28, s15, $0xb8;
	[tilespmem:$0x1FC00] =	vst v63  }
0x61: {  	_ =	swait.ge [sflag:s20], $0x4000  }
0x62: {  	[sflag:s20] =	ssyncset.done $0x0  }
0x63: {  	s28 =	simm.s32 $0x100;
	[sflag:s20] =	ssyncadd.s32 $0xFFFFC000  }
0x64: {  	[tilespmem:s16], [sflag:$0x1] =	stream.indirect.gather [hbm4b:s4+s15], $0x80, s28, s15, $0xb8;
	[tilespmem:$0x1FC00] =	vst v63  }
0x65: {  	_ =	swait.ge [sflag:s21], $0x4000  }
0x66: {  	[sflag:s21] =	ssyncset.done $0x0  }
0x67: {  	s29 =	simm.s32 $0x180;
	s28 =	simm.s32 $0xFFFFB800;
	[sflag:s21] =	ssyncadd.s32 $0xFFFFC000  }
.LBB2_4:
0x68: {  	[tilespmem:s17], [sflag:$0x2] =	stream.indirect.gather [hbm4b:s4+s15], $0x80, s29, s15, $0xb8;
	[tilespmem:$0x1FC00] =	vst v63  }
0x69: {  	s29 =	smov.u32 s28  }
0x6a: {  	p0 =	sne.s32 s28, $0xFFFFFC00;
	s28 =	sadd.s32 $0x400, s28;
	_ =	swait.ge [sflag:s18], $0x4000  }
0x6b: {  	s29 =	sshra.s32 s29, $0x2;
	[sflag:s18] =	ssyncset.done $0x0  }
0x6c: {  	s30 =	sadd.s32 $0x3B00, s29;
	[sflag:s18] =	ssyncadd.s32 $0xFFFFC000  }
0x6d: {  	[spmem:s2] =	stream.indirect.scatter.add.f32 [tilespmem:s16], [sflag:$0x3], $0x80, s30, s15, $0xb8;
	[tilespmem:$0x1FC00] =	vst v63  }
0x6e: {  	_ =	swait.ge [sflag:s19], $0x4000  }
0x6f: {  	[sflag:s19] =	ssyncset.done $0x0  }
0x70: {  	s30 =	sadd.s32 $0x3B80, s29;
	[sflag:s19] =	ssyncadd.s32 $0xFFFFC000  }
0x71: {  	[spmem:s2] =	stream.indirect.scatter.add.f32 [tilespmem:s17], [sflag:$0x4], $0x80, s30, s15, $0xb8;
	[tilespmem:$0x1FC00] =	vst v63  }
0x72: {  	_ =	swait.ge [sflag:s20], $0x4000  }
0x73: {  	[sflag:s20] =	ssyncset.done $0x0  }
.Ltmp1:
0x74: {  	s30 =	sadd.s32 $0x1400, s29;
	[sflag:s20] =	ssyncadd.s32 $0xFFFFC000;
	(pc) =	sbr.rel @p0 .LBB2_4-.Ltmp1, $4  }
0x75: {  	[tilespmem:s16], [sflag:$0x1] =	stream.indirect.gather [hbm4b:s4+s15], $0x80, s30, s15, $0xb8;
	[tilespmem:$0x1FC00] =	vst v63  }
0x76: {  	_ =	swait.ge [sflag:s21], $0x4000  }
0x77: {  	[sflag:s21] =	ssyncset.done $0x0  }
0x78: {  	s29 =	sadd.s32 $0x1480, s29;
	[sflag:s21] =	ssyncadd.s32 $0xFFFFC000  }
0x79: {  	[tilespmem:s17], [sflag:$0x2] =	stream.indirect.gather [hbm4b:s4+s15], $0x80, s29, s15, $0xb8;
	[tilespmem:$0x1FC00] =	vst v63  }
0x7a: {  	_ =	swait.ge [sflag:s18], $0x4000  }
0x7b: {  	[sflag:s18] =	ssyncset.done $0x0  }
0x7c: {  	[sflag:s18] =	ssyncadd.s32 $0xFFFFC000  }
0x7d: {  	[spmem:s2] =	stream.indirect.scatter.add.f32 [tilespmem:s16], [sflag:$0x3], $0x80, s24, s15, $0xb8;
	[tilespmem:$0x1FC00] =	vst v63  }
0x7e: {  	_ =	swait.ge [sflag:s19], $0x4000  }
0x7f: {  	[sflag:s19] =	ssyncset.done $0x0  }
0x80: {  	[sflag:s19] =	ssyncadd.s32 $0xFFFFC000  }
0x81: {  	[spmem:s2] =	stream.indirect.scatter.add.f32 [tilespmem:s17], [sflag:$0x4], $0x80, s25, s15, $0xb8;
	[tilespmem:$0x1FC00] =	vst v63  }
0x82: {  	_ =	swait.ge [sflag:s20], $0x4000  }
0x83: {  	[sflag:s20] =	ssyncset.done $0x0  }
0x84: {  	[sflag:s20] =	ssyncadd.s32 $0xFFFFC000  }
0x85: {  	_ =	swait.ge [sflag:s21], $0x4000  }
0x86: {  	s26 =	sadd.s32 $0x1, s26;
	[sflag:s21] =	ssyncset.done $0x0  }
0x87: {  	p0 =	sne.s32 s26, s11;
	[sflag:s21] =	ssyncadd.s32 $0xFFFFC000  }
.Ltmp2:
0x88: {  	[bflag:$0x0] =	sbarrier.arrive $0xFFFF;
	(pc) =	sbr.rel @p0 .LBB2_1-.Ltmp2, $4  }
0x89: {  	[hbm:s10], [sflag:s6] =	dma.local [spmem:s12], $0x2800  }
0x8a: {  	_ =	swait.ge [sflag:s13], $0x2800  }
0x8b: {  	[sflag:s13] =	ssyncset.done $0x0  }
0x8c: {  	[sflag:s13] =	ssyncadd.s32 $0xFFFFD800  }
0x8d: {  	_ =	sfence.sel $0x180000  }
0x8e: {  	[bflag:$0x0] =	sbarrier.arrive $0xFFFF  }
0x8f: {  	p0 =	sne.s32 s0, $0x0;
	_ =	strace $0x9000004A  }
0x90: {  	s0 =	sadd.s32 @!p0 $0x100000, s1;
	[bflag:$0x2] =	sbarrier.arrive $0xFFFF  }
0x91: {  	[sflag:s0] =	ssyncadd.tile.s32 @!p0 $0x1;
	_ =	shalt  }
.Lfunc_end2:
_tile_overlayer_lowered:
.L_overlay_start_2:
0x92: {  	(tag) =	ssettag $0x2  }
0x93: {  	s0 =	rddreg [dreg:$0x0];
	s2 =	stileid.u32  }
0x94: {  	s1 =	rddreg [dreg:$0x1];
	p0 =	sne.s32 s2, $0x0  }
0x95: {  	s3 =	rddreg [dreg:$0x2];
	[bflag:$0x3] =	sbarrier.arrive $0xFFFF;
	s2 =	simm.s32 @!p0 $0x1C05  }
0x96: {  	[timem:s3], [sflag:s2] =	dma.local @!p0 [hbm:s0], s1  }
0x97: {  	s0 =	simm.s32 @!p0 $0x5  }
0x98: {  	_ =	swait.ge @!p0 [sflag:s0], s1  }
0x99: {  	s1 =	ssub.s32 @!p0 $0x0, s1;
	[sflag:s0] =	ssyncset.done @!p0 $0x0  }
0x9a: {  	[sflag:s0] =	ssyncadd.s32 @!p0 s1  }
0x9b: {  	[bflag:$0x3] =	sbarrier.arrive $0xFFFF  }
0x9c: {  	_ =	shalt  }

// kernel: kernel.14.cloned.1.call-start
scs
__scs_entry_jumppad:
0x0: {  	(pc) =	sbr.rel $0x88, $3  }
0x1: {  	(tag) =	ssettag $0x0;
	lr =	simm.s32 $0x1  }
0x2: {  	[smem:$0x3F99] =	sst lr;
	_ =	strace $0xD0000000  }
0x3: {  	_ = 	snop  }
0x4: {  	_ = 	snop  }
0x5: {  	_ = 	snop  }
0x6: {  	_ = 	snop  }
0x7: {  	_ = 	snop  }
__scs_overlays_trampoline_lowered:
0x8: {  	[smem:$0x3FA8] =	sst s0  }
0x9: {  	[smem:$0x3FA9] =	sst s1  }
0xa: {  	[smem:$0x3FAA] =	sst s2  }
0xb: {  	[smem:$0x3FAB] =	sst s3  }
0xc: {  	[smem:$0x3FAC] =	sst s4  }
0xd: {  	[smem:$0x3FAD] =	sst s5  }
0xe: {  	[smem:$0x3FAE] =	sst s6  }
0xf: {  	[smem:$0x3FAF] =	sst s7  }
0x10: {  	[smem:$0x3FB0] =	sst s8  }
0x11: {  	[smem:$0x3FB1] =	sst s9;
	s0 =	simm.s32 @!p0 $0x0  }
0x12: {  	s1 =	sld [smem:$0x3F97];
	s0 =	simm.s32 @p0 $0x1  }
0x13: {  	[smem:$0x3FB2] =	sst s0;
	s0 =	simm.s32 @!p1 $0x0  }
0x14: {  	s2 =	sld [smem:$0x3F96];
	s0 =	simm.s32 @p1 $0x1  }
0x15: {  	[smem:$0x3FB3] =	sst s0;
	s0 =	simm.s32 @!p2 $0x0  }
0x16: {  	s3 =	sld [smem:$0x3FDB];
	s0 =	simm.s32 @p2 $0x1  }
0x17: {  	s4 =	simm.s32 $0x1BF5;
	[smem:$0x3FB5] =	sst s0  }
0x18: {  	s0 =	sld [smem:$0x3F98];
	_ =	swait.ge [sflag:s4], $0x0  }
0x19: {  	s7 =	sld [smem:$0x3F99]  }
0x1a: {  	s8 =	sadd.s32 $0xFFFFE003, lr  }
0x1b: {  	s9 =	sadd.s32 $0xFFFFFEF7, lr;
	s5 =	simm.s32 $0xFFFFFFFF;
	p2 =	slt.u32 s8, $0xFFFFF086  }
0x1c: {  	p1 =	slt.u32 s9, $0xF7A;
	s5 =	simm.s32 @!p2 $0x0  }
0x1d: {  	s5 =	simm.s32 @p1 $0x1;
	p0 =	seq.s32 s7, s2  }
0x1e: {  	s7 =	smul.u32 @!p0 $0xF7A, s2;
	p2 =	seq.s32 @!p0 s5, $0x0  }
0x1f: {  	s9 =	smul.u32 $0xF7A, s1;
	s8 =	simm.s32 @!p0 $0x1BF5;
	p2 =	por !p2, p0  }
0x20: {  	[sflag:s8] =	ssyncset.s32 @!p0 $0xFFFFF086;
	s6 =	sadd.s32 @!p0 s3, s7;
	s7 =	simm.s32 @!p0 $0x108  }
0x21: {  	s3 =	sadd.s32 s3, s9;
	s6 =	sadd.s32 @!p0 $0x88, s6;
	s7 =	simm.s32 @p2 $0x1082  }
0x22: {  	[simem:s7], [sflag:s8] =	dma.local @!p0 [hbm:s6], $0xF7A  }
0x23: {  	s9 =	sor.u32 $0xD0000000, s2;
	s6 =	simm.s32 $0x108;
	_ =	swait.ge @!p0 [sflag:s8], $0x0  }
0x24: {  	s3 =	sadd.s32 $0x88, s3;
	s6 =	simm.s32 @!p1 $0x1082;
	[sflag:s4] =	ssyncset.s32 $0xFFFFF086  }
0x25: {  	[simem:s6], [sflag:s4] =	dma.local [hbm:s3], $0xF7A  }
0x26: {  	[smem:$0x3F99] =	sst s1;
	(tag) =	ssettag s2;
	_ =	strace s9  }
0x27: {  	s1 =	sld [smem:$0x3FA9]  }
0x28: {  	s2 =	sld [smem:$0x3FAA]  }
0x29: {  	s4 =	sld [smem:$0x3FAC]  }
0x2a: {  	p0 =	seq.s32 s5, $0x0;
	s5 =	sld [smem:$0x3FAD]  }
0x2b: {  	s6 =	sld [smem:$0x3FAE]  }
0x2c: {  	s7 =	sld [smem:$0x3FAF]  }
0x2d: {  	s3 =	simm.s32 $0x108;
	s8 =	sld [smem:$0x3FB0]  }
0x2e: {  	s3 =	simm.s32 @!p0 $0x1082;
	s9 =	sld [smem:$0x3FB1]  }
0x2f: {  	lr =	sadd.s32 s0, s3;
	s0 =	sld [smem:$0x3FA8]  }
0x30: {  	s3 =	sld [smem:$0x3FAB]  }
0x31: {  	[smem:$0x3FB4] =	sst s10  }
0x32: {  	s10 =	sld [smem:$0x3FB2];
	_ =	sdelay $0x3  }
0x33: {  	p0 =	seq.s32 s10, $0x1;
	s10 =	sld [smem:$0x3FB4];
	_ =	sdelay $0x3  }
0x34: {  	[smem:$0x3FB4] =	sst s10  }
0x35: {  	s10 =	sld [smem:$0x3FB3];
	_ =	sdelay $0x3  }
0x36: {  	p1 =	seq.s32 s10, $0x1;
	s10 =	sld [smem:$0x3FB4];
	_ =	sdelay $0x3  }
0x37: {  	[smem:$0x3FB4] =	sst s10  }
0x38: {  	s10 =	sld [smem:$0x3FB5]  }
0x39: {  	_ = 	snop;
	(pc) =	sbr.ind lr, $3  }
0x3a: {  	_ = 	snop  }
0x3b: {  	_ = 	snop  }
0x3c: {  	p2 =	seq.s32 s10, $0x1;
	s10 =	sld [smem:$0x3FB4]  }
0x3d: {  	_ =	shalt  }
0x3e: {  	_ =	shalt  }
0x3f: {  	_ =	shalt  }
0x40: {  	_ =	shalt  }
0x41: {  	_ =	shalt  }
0x42: {  	_ =	shalt  }
0x43: {  	_ =	shalt  }
0x44: {  	_ =	shalt  }
0x45: {  	_ =	shalt  }
0x46: {  	_ =	shalt  }
0x47: {  	_ =	shalt  }
0x48: {  	_ =	shalt  }
0x49: {  	_ =	shalt  }
0x4a: {  	_ =	shalt  }
0x4b: {  	_ =	shalt  }
0x4c: {  	_ =	shalt  }
0x4d: {  	_ =	shalt  }
0x4e: {  	_ =	shalt  }
0x4f: {  	_ =	shalt  }
0x50: {  	_ =	shalt  }
0x51: {  	_ =	shalt  }
0x52: {  	_ =	shalt  }
0x53: {  	_ =	shalt  }
0x54: {  	_ =	shalt  }
0x55: {  	_ =	shalt  }
0x56: {  	_ =	shalt  }
0x57: {  	_ =	shalt  }
0x58: {  	_ =	shalt  }
0x59: {  	_ =	shalt  }
0x5a: {  	_ =	shalt  }
0x5b: {  	_ =	shalt  }
0x5c: {  	_ =	shalt  }
0x5d: {  	_ =	shalt  }
0x5e: {  	_ =	shalt  }
0x5f: {  	_ =	shalt  }
0x60: {  	_ =	shalt  }
0x61: {  	_ =	shalt  }
0x62: {  	_ =	shalt  }
0x63: {  	_ =	shalt  }
0x64: {  	_ =	shalt  }
0x65: {  	_ =	shalt  }
0x66: {  	_ =	shalt  }
0x67: {  	_ =	shalt  }
0x68: {  	_ =	shalt  }
0x69: {  	_ =	shalt  }
0x6a: {  	_ =	shalt  }
0x6b: {  	_ =	shalt  }
0x6c: {  	_ =	shalt  }
0x6d: {  	_ =	shalt  }
0x6e: {  	_ =	shalt  }
0x6f: {  	_ =	shalt  }
0x70: {  	_ =	shalt  }
0x71: {  	_ =	shalt  }
0x72: {  	_ =	shalt  }
0x73: {  	_ =	shalt  }
0x74: {  	_ =	shalt  }
0x75: {  	_ =	shalt  }
0x76: {  	_ =	shalt  }
0x77: {  	_ =	shalt  }
0x78: {  	_ =	shalt  }
0x79: {  	_ =	shalt  }
0x7a: {  	_ =	shalt  }
0x7b: {  	_ =	shalt  }
0x7c: {  	_ =	shalt  }
0x7d: {  	_ =	shalt  }
0x7e: {  	_ =	shalt  }
0x7f: {  	_ =	shalt  }
0x80: {  	_ =	shalt  }
0x81: {  	_ =	shalt  }
0x82: {  	_ =	shalt  }
0x83: {  	_ =	shalt  }
0x84: {  	_ =	shalt  }
0x85: {  	_ =	shalt  }
0x86: {  	_ =	shalt  }
0x87: {  	_ =	shalt  }
.Lfunc_end0:
.L_simem_size_0:
called_computation.2_lowered:
.L_overlay_start_0:
0x88: {  	s2 =	sld [smem:$0x3FD9]  }
0x89: {  	s3 =	sld [smem:$0x3FFE];
	_ =	sdelay $0x1  }
0x8a: {  	s1 =	srdreg.scid  }
0x8b: {  	s0 =	sand.u32 $0x1, s1  }
0x8c: {  	s16 =	sshll.u32 s0, $0xA;
	s2 =	sadd.s32 s3, s2  }
0x8d: {  	s2 =	sadd.s32 s2, s16  }
0x8e: {  	[smem:$0x3FC0] =	sst s2  }
0x8f: {  	_ = 	snop  }
0x90: {  	(tm) =	ssettm $0x1  }
0x91: {  	s17 =	sld [smem:$0x3FFB];
	_ =	sdelay $0x3  }
0x92: {  	_ =	strace s17  }
0x93: {  	s2 =	sld [smem:$0x3FFC];
	_ =	sdelay $0x3  }
0x94: {  	_ =	strace s2  }
0x95: {  	s2 =	sld [smem:$0x3FFD];
	_ =	sdelay $0x3  }
0x96: {  	_ =	strace s2  }
0x97: {  	_ =	strace $0x8FFFFFFF  }
0x98: {  	s18 =	sld [smem:$0x3FDB];
	_ =	sdelay $0x1  }
0x99: {  	s19 =	simm.s32 $_scs_section_size  }
0x9a: {  	s4 =	simm.s32 $_size__tile_overlayer_lowered;
	s5 =	simm.s32 $_tile_overlayer_lowered  }
0x9b: {  	s22 =	simm.s32 $0x1BFF;
	s21 =	sshll.u32 s5, $0x1;
	s2 =	sadd.s32 s19, s18  }
0x9c: {  	s6 =	simm.s32 $0x0;
	s20 =	sshll.u32 s4, $0x1;
	s4 =	sadd.s32 s21, s2  }
0x9d: {  	[timem:s6], [sflag:s22] =	dma.local [hbm:s4], s20  }
0x9e: {  	_ =	swait.ge [sflag:s22], s20  }
0x9f: {  	s3 =	ssub.s32 $0x0, s20;
	[sflag:s22] =	ssyncset.done $0x0  }
0xa0: {  	[sflag:s22] =	ssyncadd.s32 s3;
	_ =	sdelay $0x1  }
0xa1: {  	s23 =	simm.s32 $0x1B8B  }
0xa2: {  	_ =	swait.ge [sflag:s23], $0x1  }
0xa3: {  	[sflag:s23] =	ssyncset.done $0x0  }
0xa4: {  	s25 =	simm.s32 $0x1B8E;
	s24 =	sld [smem:$0x3FFE];
	[sflag:s23] =	ssyncadd.s32 $0xFFFFFFFF  }
0xa5: {  	s26 =	simm.s32 $execute0_lowered;
	[smem:$0x3FD2] =	sst s25  }
0xa6: {  	s4 =	sshll.u32 s26, $0x1;
	_ =	strace $0x8000004C;
	[dreg:$0x1] =	wrdreg $0xFFFFFFFF  }
0xa7: {  	s28 =	simm.s32 $_size_execute0_lowered;
	s2 =	sadd.s32 s2, s4;
	[dreg:$0x0] =	wrdreg $0x0  }
0xa8: {  	s4 =	sshll.u32 s28, $0x1;
	[dreg:$0x2] =	wrdreg s2  }
0xa9: {  	[dreg:$0x3] =	wrdreg s4  }
0xaa: {  	[dreg:$0x4] =	wrdreg $0xC0  }
0xab: {  	_ =	task [dreg:s6], $0x5FFFF  }
0xac: {  	[dreg:$0x1] =	wrdreg $0xFFFFFFFF  }
0xad: {  	[dreg:$0x0] =	wrdreg $0x60  }
0xae: {  	[dreg:$0x2] =	wrdreg s24  }
0xaf: {  	[dreg:$0x3] =	wrdreg $0xBC000  }
0xb0: {  	[dreg:$0x4] =	wrdreg $0x9  }
0xb1: {  	_ =	task.clear_ibuf [dreg:s6], $0x5FFFF;
	_ =	strace $0x9000004C  }
0xb2: {  	s29 =	simm.s32 $0x9;
	_ =	strace $0x8000004E  }
0xb3: {  	_ =	swait.ge [sflag:s29], $0x1  }
0xb4: {  	[sflag:s29] =	ssyncadd.s32 $0xFFFFFFFF  }
0xb5: {  	_ =	strace $0x9000004E  }
0xb6: {  	_ =	sfence  }
0xb7: {  	s30 =	sld [smem:$0x0];
	_ =	sdelay $0x2  }
0xb8: {  	s31 =	sshll.u32 s1, $0xD;
	s1 =	sshrl.u32 s1, $0x2  }
0xb9: {  	s3 =	sand.u32 $0x4000, s31;
	s1 =	sadd.s32 s1, s30  }
0xba: {  	s0 =	sor.u32 s3, s0;
	s1 =	sshll.u32 s1, $0x11  }
0xbb: {  	s0 =	sor.u32 s1, s0  }
0xbc: {  	s0 =	sadd.s32 $0x8F2B, s0  }
0xbd: {  	[sflag:s0] =	ssyncadd.remote.s32 $0x1  }
0xbe: {  	_ =	sfence.sel $0xFFFF  }
0xbf: {  	[dreg:$0x0] =	wrdreg $0xFFFFFFFF;
	(pc) =	sbr.abs _section_cstart, $3  }
0xc0: {  	[dreg:$0x1] =	wrdreg $0xFFFFFFFF  }
0xc1: {  	_ =	task.clear_ibuf [dreg:s6], $0x2FFFF;
	_ =	strace $0x9FFFFFFF  }
0xc2: {  	(tm) =	ssettm $0x7FFFFFFF  }
0xc3: {  	_ =	shalt  }
tec
execute0_lowered:
.L_overlay_start_1:
0x0: {  	(tag) =	ssettag $0x1  }
0x1: {  	s1 =	srdreg.scid  }
0x2: {  	s0 =	stileid.u32;
	s5 =	rddreg [dreg:$0x0]  }
0x3: {  	s2 =	rddreg [dreg:$0x1];
	s3 =	simm.s32 $0x0;
	s14 =	simm.s32 $0x1400  }
0x4: {  	s15 =	simm.s32 $0x80;
	s16 =	simm.s32 $0x3C00;
	s17 =	simm.s32 $0x7C00  }
0x5: {  	s18 =	simm.s32 $0x1;
	s19 =	simm.s32 $0x2;
	s20 =	simm.s32 $0x3  }
0x6: {  	s21 =	simm.s32 $0x4;
	s22 =	simm.s32 $0x2700;
	s7 =	smul.u32 $0x2800, s0  }
0x7: {  	s23 =	simm.s32 $0x2780;
	s24 =	simm.s32 $0x3B00;
	s10 =	smul.u32 $0x280, s0  }
0x8: {  	s25 =	simm.s32 $0x3B80;
	s6 =	sand.u32 $0x1, s1;
	s29 =	smul.u32 $0x50000, s0  }
0x9: {  	s26 =	simm.s32 $0x0;
	s1 =	rddreg [dreg:$0x2];
	s4 =	smul.u32 $0x28000, s6  }
0xa: {  	[smem:$0x7FF] =	sst s3;
	s8 =	smul.u32 $0x2800, s6;
	s6 =	ssub.s32 $0x2, s6  }
0xb: {  	s31 =	sshll.u32 s0, $0x6;
	_ =	strace $0x8000004D;
	s11 =	sshrl.u32 s6, $0x1  }
0xc: {  	s30 =	sshrl.u32 s29, $0x2;
	s4 =	sadd.s32 s7, s4;
	s7 =	sshrl.u32 s7, $0x3  }
0xd: {  	s8 =	sadd.s32 s10, s8;
	s11 =	ssub.s32 s6, s11;
	s13 =	sadd.s32 s30, s2  }
0xe: {  	s6 =	sor.u32 $0x1C05, s31;
	s9 =	sshrl.u32 s4, $0x3;
	s4 =	sadd.s32 $0x1FC00, s5  }
0xf: {  	s7 =	sadd.s32 s7, s5;
	s8 =	sshll.u32 s8, $0x4;
	s11 =	smax.u32 s11, $0x1  }
0x10: {  	s9 =	sadd.s32 s9, s5;
	s12 =	sadd.s32 s8, s5;
	s5 =	sadd.s32 s4, s8  }
0x11: {  	s7 =	sadd.s32 $0x1C00, s7;
	s8 =	sadd.s32 $0x15C00, s9;
	s9 =	sadd.s32 $0x15E80, s9  }
0x12: {  	s10 =	sadd.s32 $0x6FC00, s12;
	s12 =	sshrl.u32 s13, $0x3;
	s13 =	simm.s32 $0x5  }
.LBB2_1:
0x13: {  	[spmem:s12], [sflag:s6] =	dma.local [hbm:s5], $0x2800  }
0x14: {  	_ =	swait.ge [sflag:s13], $0x2800  }
0x15: {  	[sflag:s13] =	ssyncset.done $0x0  }
0x16: {  	[sflag:s13] =	ssyncadd.s32 $0xFFFFD800  }
0x17: {  	[bflag:$0x0] =	sbarrier.arrive $0xFFFF  }
0x18: {  	[tilespmem:s14], [sflag:$0x5] =	stream.linear.gather [hbm4b:s7+s3], $0x2800, $0x38;
	[tilespmem:$0x1FC00] =	vst v63  }
0x19: {  	_ =	swait.ge [sflag:s13], $0x2800  }
0x1a: {  	[sflag:s13] =	ssyncset.done $0x0  }
0x1b: {  	[sflag:s13] =	ssyncadd.s32 $0xFFFFD800  }
0x1c: {  	[tilespmem:s3], [sflag:$0x5] =	stream.linear.gather [hbm4b:s8+s3], $0x1400, $0x38;
	[tilespmem:$0x1FC00] =	vst v63  }
0x1d: {  	_ =	swait.ge [sflag:s13], $0x1400  }
0x1e: {  	[sflag:s13] =	ssyncset.done $0x0  }
0x1f: {  	[sflag:s13] =	ssyncadd.s32 $0xFFFFEC00  }
0x20: {  	[tilespmem:s16], [sflag:$0x1] =	stream.indirect.gather [hbm4b:s4+s15], $0x80, s3, s15, $0xb8;
	[tilespmem:$0x1FC00] =	vst v63  }
0x21: {  	_ = 	snop  }
0x22: {  	[tilespmem:s17], [sflag:$0x2] =	stream.indirect.gather [hbm4b:s4+s15], $0x80, s15, s15, $0xb8;
	[tilespmem:$0x1FC00] =	vst v63  }
0x23: {  	_ =	swait.ge [sflag:s18], $0x4000  }
0x24: {  	[sflag:s18] =	ssyncset.done $0x0  }
0x25: {  	s28 =	simm.s32 $0x1400;
	[sflag:s18] =	ssyncadd.s32 $0xFFFFC000  }
0x26: {  	[spmem:s2] =	stream.indirect.scatter.add.f32 [tilespmem:s16], [sflag:$0x3], $0x80, s28, s15, $0xb8;
	[tilespmem:$0x1FC00] =	vst v63  }
0x27: {  	_ =	swait.ge [sflag:s19], $0x4000  }
0x28: {  	[sflag:s19] =	ssyncset.done $0x0  }
0x29: {  	s28 =	simm.s32 $0x1480;
	[sflag:s19] =	ssyncadd.s32 $0xFFFFC000  }
0x2a: {  	[spmem:s2] =	stream.indirect.scatter.add.f32 [tilespmem:s17], [sflag:$0x4], $0x80, s28, s15, $0xb8;
	[tilespmem:$0x1FC00] =	vst v63  }
0x2b: {  	_ =	swait.ge [sflag:s20], $0x4000  }
0x2c: {  	[sflag:s20] =	ssyncset.done $0x0  }
0x2d: {  	s28 =	simm.s32 $0x100;
	[sflag:s20] =	ssyncadd.s32 $0xFFFFC000  }
0x2e: {  	[tilespmem:s16], [sflag:$0x1] =	stream.indirect.gather [hbm4b:s4+s15], $0x80, s28, s15, $0xb8;
	[tilespmem:$0x1FC00] =	vst v63  }
0x2f: {  	_ =	swait.ge [sflag:s21], $0x4000  }
0x30: {  	[sflag:s21] =	ssyncset.done $0x0  }
0x31: {  	s29 =	simm.s32 $0x180;
	s28 =	simm.s32 $0x400;
	[sflag:s21] =	ssyncadd.s32 $0xFFFFC000  }
.LBB2_2:
0x32: {  	[tilespmem:s17], [sflag:$0x2] =	stream.indirect.gather [hbm4b:s4+s15], $0x80, s29, s15, $0xb8;
	[tilespmem:$0x1FC00] =	vst v63  }
0x33: {  	s29 =	smov.u32 s28  }
0x34: {  	p0 =	sne.s32 s28, $0x4800;
	s28 =	sadd.s32 $0x400, s28;
	_ =	swait.ge [sflag:s18], $0x4000  }
0x35: {  	s29 =	sshra.s32 s29, $0x2;
	[sflag:s18] =	ssyncset.done $0x0  }
0x36: {  	s30 =	sadd.s32 $0x1400, s29;
	[sflag:s18] =	ssyncadd.s32 $0xFFFFC000  }
0x37: {  	[spmem:s2] =	stream.indirect.scatter.add.f32 [tilespmem:s16], [sflag:$0x3], $0x80, s30, s15, $0xb8;
	[tilespmem:$0x1FC00] =	vst v63  }
0x38: {  	_ =	swait.ge [sflag:s19], $0x4000  }
0x39: {  	[sflag:s19] =	ssyncset.done $0x0  }
0x3a: {  	s30 =	sadd.s32 $0x1480, s29;
	[sflag:s19] =	ssyncadd.s32 $0xFFFFC000  }
0x3b: {  	[spmem:s2] =	stream.indirect.scatter.add.f32 [tilespmem:s17], [sflag:$0x4], $0x80, s30, s15, $0xb8;
	[tilespmem:$0x1FC00] =	vst v63  }
0x3c: {  	_ =	swait.ge [sflag:s20], $0x4000  }
0x3d: {  	[sflag:s20] =	ssyncset.done $0x0  }
.Ltmp0:
0x3e: {  	s30 =	sadd.s32 $0x100, s29;
	[sflag:s20] =	ssyncadd.s32 $0xFFFFC000;
	(pc) =	sbr.rel @p0 .LBB2_2-.Ltmp0, $4  }
0x3f: {  	[tilespmem:s16], [sflag:$0x1] =	stream.indirect.gather [hbm4b:s4+s15], $0x80, s30, s15, $0xb8;
	[tilespmem:$0x1FC00] =	vst v63  }
0x40: {  	_ =	swait.ge [sflag:s21], $0x4000  }
0x41: {  	[sflag:s21] =	ssyncset.done $0x0  }
0x42: {  	s29 =	sadd.s32 $0x180, s29;
	[sflag:s21] =	ssyncadd.s32 $0xFFFFC000  }
0x43: {  	[tilespmem:s17], [sflag:$0x2] =	stream.indirect.gather [hbm4b:s4+s15], $0x80, s29, s15, $0xb8;
	[tilespmem:$0x1FC00] =	vst v63  }
0x44: {  	_ =	swait.ge [sflag:s18], $0x4000  }
0x45: {  	[sflag:s18] =	ssyncset.done $0x0  }
0x46: {  	[sflag:s18] =	ssyncadd.s32 $0xFFFFC000  }
0x47: {  	[spmem:s2] =	stream.indirect.scatter.add.f32 [tilespmem:s16], [sflag:$0x3], $0x80, s22, s15, $0xb8;
	[tilespmem:$0x1FC00] =	vst v63  }
0x48: {  	_ =	swait.ge [sflag:s19], $0x4000  }
0x49: {  	[sflag:s19] =	ssyncset.done $0x0  }
0x4a: {  	[sflag:s19] =	ssyncadd.s32 $0xFFFFC000  }
0x4b: {  	[spmem:s2] =	stream.indirect.scatter.add.f32 [tilespmem:s17], [sflag:$0x4], $0x80, s23, s15, $0xb8;
	[tilespmem:$0x1FC00] =	vst v63  }
0x4c: {  	_ =	swait.ge [sflag:s20], $0x4000  }
0x4d: {  	[sflag:s20] =	ssyncset.done $0x0  }
0x4e: {  	[sflag:s20] =	ssyncadd.s32 $0xFFFFC000  }
0x4f: {  	_ =	swait.ge [sflag:s21], $0x4000  }
0x50: {  	[sflag:s21] =	ssyncset.done $0x0  }
0x51: {  	[sflag:s21] =	ssyncadd.s32 $0xFFFFC000  }
0x52: {  	[tilespmem:s3], [sflag:$0x5] =	stream.linear.gather [hbm4b:s9+s3], $0x1400, $0x38;
	[tilespmem:$0x1FC00] =	vst v63  }
0x53: {  	_ =	swait.ge [sflag:s13], $0x1400  }
0x54: {  	[sflag:s13] =	ssyncset.done $0x0  }
0x55: {  	[sflag:s13] =	ssyncadd.s32 $0xFFFFEC00  }
0x56: {  	[tilespmem:s16], [sflag:$0x1] =	stream.indirect.gather [hbm4b:s4+s15], $0x80, s3, s15, $0xb8;
	[tilespmem:$0x1FC00] =	vst v63  }
0x57: {  	_ = 	snop  }
0x58: {  	[tilespmem:s17], [sflag:$0x2] =	stream.indirect.gather [hbm4b:s4+s15], $0x80, s15, s15, $0xb8;
	[tilespmem:$0x1FC00] =	vst v63  }
0x59: {  	_ =	swait.ge [sflag:s18], $0x4000  }
0x5a: {  	[sflag:s18] =	ssyncset.done $0x0  }
0x5b: {  	s28 =	simm.s32 $0x2800;
	[sflag:s18] =	ssyncadd.s32 $0xFFFFC000  }
0x5c: {  	[spmem:s2] =	stream.indirect.scatter.add.f32 [tilespmem:s16], [sflag:$0x3], $0x80, s28, s15, $0xb8;
	[tilespmem:$0x1FC00] =	vst v63  }
0x5d: {  	_ =	swait.ge [sflag:s19], $0x4000  }
0x5e: {  	[sflag:s19] =	ssyncset.done $0x0  }
0x5f: {  	s28 =	simm.s32 $0x2880;
	[sflag:s19] =	ssyncadd.s32 $0xFFFFC000  }
0x60: {  	[spmem:s2] =	stream.indirect.scatter.add.f32 [tilespmem:s17], [sflag:$0x4], $0x80, s28, s15, $0xb8;
	[tilespmem:$0x1FC00] =	vst v63  }
0x61: {  	_ =	swait.ge [sflag:s20], $0x4000  }
0x62: {  	[sflag:s20] =	ssyncset.done $0x0  }
0x63: {  	s28 =	simm.s32 $0x100;
	[sflag:s20] =	ssyncadd.s32 $0xFFFFC000  }
0x64: {  	[tilespmem:s16], [sflag:$0x1] =	stream.indirect.gather [hbm4b:s4+s15], $0x80, s28, s15, $0xb8;
	[tilespmem:$0x1FC00] =	vst v63  }
0x65: {  	_ =	swait.ge [sflag:s21], $0x4000  }
0x66: {  	[sflag:s21] =	ssyncset.done $0x0  }
0x67: {  	s29 =	simm.s32 $0x180;
	s28 =	simm.s32 $0xFFFFB800;
	[sflag:s21] =	ssyncadd.s32 $0xFFFFC000  }
.LBB2_4:
0x68: {  	[tilespmem:s17], [sflag:$0x2] =	stream.indirect.gather [hbm4b:s4+s15], $0x80, s29, s15, $0xb8;
	[tilespmem:$0x1FC00] =	vst v63  }
0x69: {  	s29 =	smov.u32 s28  }
0x6a: {  	p0 =	sne.s32 s28, $0xFFFFFC00;
	s28 =	sadd.s32 $0x400, s28;
	_ =	swait.ge [sflag:s18], $0x4000  }
0x6b: {  	s29 =	sshra.s32 s29, $0x2;
	[sflag:s18] =	ssyncset.done $0x0  }
0x6c: {  	s30 =	sadd.s32 $0x3B00, s29;
	[sflag:s18] =	ssyncadd.s32 $0xFFFFC000  }
0x6d: {  	[spmem:s2] =	stream.indirect.scatter.add.f32 [tilespmem:s16], [sflag:$0x3], $0x80, s30, s15, $0xb8;
	[tilespmem:$0x1FC00] =	vst v63  }
0x6e: {  	_ =	swait.ge [sflag:s19], $0x4000  }
0x6f: {  	[sflag:s19] =	ssyncset.done $0x0  }
0x70: {  	s30 =	sadd.s32 $0x3B80, s29;
	[sflag:s19] =	ssyncadd.s32 $0xFFFFC000  }
0x71: {  	[spmem:s2] =	stream.indirect.scatter.add.f32 [tilespmem:s17], [sflag:$0x4], $0x80, s30, s15, $0xb8;
	[tilespmem:$0x1FC00] =	vst v63  }
0x72: {  	_ =	swait.ge [sflag:s20], $0x4000  }
0x73: {  	[sflag:s20] =	ssyncset.done $0x0  }
.Ltmp1:
0x74: {  	s30 =	sadd.s32 $0x1400, s29;
	[sflag:s20] =	ssyncadd.s32 $0xFFFFC000;
	(pc) =	sbr.rel @p0 .LBB2_4-.Ltmp1, $4  }
0x75: {  	[tilespmem:s16], [sflag:$0x1] =	stream.indirect.gather [hbm4b:s4+s15], $0x80, s30, s15, $0xb8;
	[tilespmem:$0x1FC00] =	vst v63  }
0x76: {  	_ =	swait.ge [sflag:s21], $0x4000  }
0x77: {  	[sflag:s21] =	ssyncset.done $0x0  }
0x78: {  	s29 =	sadd.s32 $0x1480, s29;
	[sflag:s21] =	ssyncadd.s32 $0xFFFFC000  }
0x79: {  	[tilespmem:s17], [sflag:$0x2] =	stream.indirect.gather [hbm4b:s4+s15], $0x80, s29, s15, $0xb8;
	[tilespmem:$0x1FC00] =	vst v63  }
0x7a: {  	_ =	swait.ge [sflag:s18], $0x4000  }
0x7b: {  	[sflag:s18] =	ssyncset.done $0x0  }
0x7c: {  	[sflag:s18] =	ssyncadd.s32 $0xFFFFC000  }
0x7d: {  	[spmem:s2] =	stream.indirect.scatter.add.f32 [tilespmem:s16], [sflag:$0x3], $0x80, s24, s15, $0xb8;
	[tilespmem:$0x1FC00] =	vst v63  }
0x7e: {  	_ =	swait.ge [sflag:s19], $0x4000  }
0x7f: {  	[sflag:s19] =	ssyncset.done $0x0  }
0x80: {  	[sflag:s19] =	ssyncadd.s32 $0xFFFFC000  }
0x81: {  	[spmem:s2] =	stream.indirect.scatter.add.f32 [tilespmem:s17], [sflag:$0x4], $0x80, s25, s15, $0xb8;
	[tilespmem:$0x1FC00] =	vst v63  }
0x82: {  	_ =	swait.ge [sflag:s20], $0x4000  }
0x83: {  	[sflag:s20] =	ssyncset.done $0x0  }
0x84: {  	[sflag:s20] =	ssyncadd.s32 $0xFFFFC000  }
0x85: {  	_ =	swait.ge [sflag:s21], $0x4000  }
0x86: {  	s26 =	sadd.s32 $0x1, s26;
	[sflag:s21] =	ssyncset.done $0x0  }
0x87: {  	p0 =	sne.s32 s26, s11;
	[sflag:s21] =	ssyncadd.s32 $0xFFFFC000  }
.Ltmp2:
0x88: {  	[bflag:$0x0] =	sbarrier.arrive $0xFFFF;
	(pc) =	sbr.rel @p0 .LBB2_1-.Ltmp2, $4  }
0x89: {  	[hbm:s10], [sflag:s6] =	dma.local [spmem:s12], $0x2800  }
0x8a: {  	_ =	swait.ge [sflag:s13], $0x2800  }
0x8b: {  	[sflag:s13] =	ssyncset.done $0x0  }
0x8c: {  	[sflag:s13] =	ssyncadd.s32 $0xFFFFD800  }
0x8d: {  	_ =	sfence.sel $0x180000  }
0x8e: {  	[bflag:$0x0] =	sbarrier.arrive $0xFFFF  }
0x8f: {  	p0 =	sne.s32 s0, $0x0;
	_ =	strace $0x9000004D  }
0x90: {  	s0 =	sadd.s32 @!p0 $0x100000, s1;
	[bflag:$0x2] =	sbarrier.arrive $0xFFFF  }
0x91: {  	[sflag:s0] =	ssyncadd.tile.s32 @!p0 $0x1;
	_ =	shalt  }
.Lfunc_end2:
_tile_overlayer_lowered:
.L_overlay_start_2:
0x92: {  	(tag) =	ssettag $0x2  }
0x93: {  	s0 =	rddreg [dreg:$0x0];
	s2 =	stileid.u32  }
0x94: {  	s1 =	rddreg [dreg:$0x1];
	p0 =	sne.s32 s2, $0x0  }
0x95: {  	s3 =	rddreg [dreg:$0x2];
	[bflag:$0x3] =	sbarrier.arrive $0xFFFF;
	s2 =	simm.s32 @!p0 $0x1C05  }
0x96: {  	[timem:s3], [sflag:s2] =	dma.local @!p0 [hbm:s0], s1  }
0x97: {  	s0 =	simm.s32 @!p0 $0x5  }
0x98: {  	_ =	swait.ge @!p0 [sflag:s0], s1  }
0x99: {  	s1 =	ssub.s32 @!p0 $0x0, s1;
	[sflag:s0] =	ssyncset.done @!p0 $0x0  }
0x9a: {  	[sflag:s0] =	ssyncadd.s32 @!p0 s1  }
0x9b: {  	[bflag:$0x3] =	sbarrier.arrive $0xFFFF  }
0x9c: {  	_ =	shalt  }

// kernel: kernel.8.cloned.1.call-start
scs
__scs_entry_jumppad:
0x0: {  	(pc) =	sbr.rel $0x88, $3  }
0x1: {  	(tag) =	ssettag $0x0;
	lr =	simm.s32 $0x1  }
0x2: {  	[smem:$0x3F99] =	sst lr;
	_ =	strace $0xD0000000  }
0x3: {  	_ = 	snop  }
0x4: {  	_ = 	snop  }
0x5: {  	_ = 	snop  }
0x6: {  	_ = 	snop  }
0x7: {  	_ = 	snop  }
__scs_overlays_trampoline_lowered:
0x8: {  	[smem:$0x3FA8] =	sst s0  }
0x9: {  	[smem:$0x3FA9] =	sst s1  }
0xa: {  	[smem:$0x3FAA] =	sst s2  }
0xb: {  	[smem:$0x3FAB] =	sst s3  }
0xc: {  	[smem:$0x3FAC] =	sst s4  }
0xd: {  	[smem:$0x3FAD] =	sst s5  }
0xe: {  	[smem:$0x3FAE] =	sst s6  }
0xf: {  	[smem:$0x3FAF] =	sst s7  }
0x10: {  	[smem:$0x3FB0] =	sst s8  }
0x11: {  	[smem:$0x3FB1] =	sst s9;
	s0 =	simm.s32 @!p0 $0x0  }
0x12: {  	s1 =	sld [smem:$0x3F97];
	s0 =	simm.s32 @p0 $0x1  }
0x13: {  	[smem:$0x3FB2] =	sst s0;
	s0 =	simm.s32 @!p1 $0x0  }
0x14: {  	s2 =	sld [smem:$0x3F96];
	s0 =	simm.s32 @p1 $0x1  }
0x15: {  	[smem:$0x3FB3] =	sst s0;
	s0 =	simm.s32 @!p2 $0x0  }
0x16: {  	s3 =	sld [smem:$0x3FDB];
	s0 =	simm.s32 @p2 $0x1  }
0x17: {  	s4 =	simm.s32 $0x1BF5;
	[smem:$0x3FB5] =	sst s0  }
0x18: {  	s0 =	sld [smem:$0x3F98];
	_ =	swait.ge [sflag:s4], $0x0  }
0x19: {  	s7 =	sld [smem:$0x3F99]  }
0x1a: {  	s8 =	sadd.s32 $0xFFFFE003, lr  }
0x1b: {  	s9 =	sadd.s32 $0xFFFFFEF7, lr;
	s5 =	simm.s32 $0xFFFFFFFF;
	p2 =	slt.u32 s8, $0xFFFFF086  }
0x1c: {  	p1 =	slt.u32 s9, $0xF7A;
	s5 =	simm.s32 @!p2 $0x0  }
0x1d: {  	s5 =	simm.s32 @p1 $0x1;
	p0 =	seq.s32 s7, s2  }
0x1e: {  	s7 =	smul.u32 @!p0 $0xF7A, s2;
	p2 =	seq.s32 @!p0 s5, $0x0  }
0x1f: {  	s9 =	smul.u32 $0xF7A, s1;
	s8 =	simm.s32 @!p0 $0x1BF5;
	p2 =	por !p2, p0  }
0x20: {  	[sflag:s8] =	ssyncset.s32 @!p0 $0xFFFFF086;
	s6 =	sadd.s32 @!p0 s3, s7;
	s7 =	simm.s32 @!p0 $0x108  }
0x21: {  	s3 =	sadd.s32 s3, s9;
	s6 =	sadd.s32 @!p0 $0x88, s6;
	s7 =	simm.s32 @p2 $0x1082  }
0x22: {  	[simem:s7], [sflag:s8] =	dma.local @!p0 [hbm:s6], $0xF7A  }
0x23: {  	s9 =	sor.u32 $0xD0000000, s2;
	s6 =	simm.s32 $0x108;
	_ =	swait.ge @!p0 [sflag:s8], $0x0  }
0x24: {  	s3 =	sadd.s32 $0x88, s3;
	s6 =	simm.s32 @!p1 $0x1082;
	[sflag:s4] =	ssyncset.s32 $0xFFFFF086  }
0x25: {  	[simem:s6], [sflag:s4] =	dma.local [hbm:s3], $0xF7A  }
0x26: {  	[smem:$0x3F99] =	sst s1;
	(tag) =	ssettag s2;
	_ =	strace s9  }
0x27: {  	s1 =	sld [smem:$0x3FA9]  }
0x28: {  	s2 =	sld [smem:$0x3FAA]  }
0x29: {  	s4 =	sld [smem:$0x3FAC]  }
0x2a: {  	p0 =	seq.s32 s5, $0x0;
	s5 =	sld [smem:$0x3FAD]  }
0x2b: {  	s6 =	sld [smem:$0x3FAE]  }
0x2c: {  	s7 =	sld [smem:$0x3FAF]  }
0x2d: {  	s3 =	simm.s32 $0x108;
	s8 =	sld [smem:$0x3FB0]  }
0x2e: {  	s3 =	simm.s32 @!p0 $0x1082;
	s9 =	sld [smem:$0x3FB1]  }
0x2f: {  	lr =	sadd.s32 s0, s3;
	s0 =	sld [smem:$0x3FA8]  }
0x30: {  	s3 =	sld [smem:$0x3FAB]  }
0x31: {  	[smem:$0x3FB4] =	sst s10  }
0x32: {  	s10 =	sld [smem:$0x3FB2];
	_ =	sdelay $0x3  }
0x33: {  	p0 =	seq.s32 s10, $0x1;
	s10 =	sld [smem:$0x3FB4];
	_ =	sdelay $0x3  }
0x34: {  	[smem:$0x3FB4] =	sst s10  }
0x35: {  	s10 =	sld [smem:$0x3FB3];
	_ =	sdelay $0x3  }
0x36: {  	p1 =	seq.s32 s10, $0x1;
	s10 =	sld [smem:$0x3FB4];
	_ =	sdelay $0x3  }
0x37: {  	[smem:$0x3FB4] =	sst s10  }
0x38: {  	s10 =	sld [smem:$0x3FB5]  }
0x39: {  	_ = 	snop;
	(pc) =	sbr.ind lr, $3  }
0x3a: {  	_ = 	snop  }
0x3b: {  	_ = 	snop  }
0x3c: {  	p2 =	seq.s32 s10, $0x1;
	s10 =	sld [smem:$0x3FB4]  }
0x3d: {  	_ =	shalt  }
0x3e: {  	_ =	shalt  }
0x3f: {  	_ =	shalt  }
0x40: {  	_ =	shalt  }
0x41: {  	_ =	shalt  }
0x42: {  	_ =	shalt  }
0x43: {  	_ =	shalt  }
0x44: {  	_ =	shalt  }
0x45: {  	_ =	shalt  }
0x46: {  	_ =	shalt  }
0x47: {  	_ =	shalt  }
0x48: {  	_ =	shalt  }
0x49: {  	_ =	shalt  }
0x4a: {  	_ =	shalt  }
0x4b: {  	_ =	shalt  }
0x4c: {  	_ =	shalt  }
0x4d: {  	_ =	shalt  }
0x4e: {  	_ =	shalt  }
0x4f: {  	_ =	shalt  }
0x50: {  	_ =	shalt  }
0x51: {  	_ =	shalt  }
0x52: {  	_ =	shalt  }
0x53: {  	_ =	shalt  }
0x54: {  	_ =	shalt  }
0x55: {  	_ =	shalt  }
0x56: {  	_ =	shalt  }
0x57: {  	_ =	shalt  }
0x58: {  	_ =	shalt  }
0x59: {  	_ =	shalt  }
0x5a: {  	_ =	shalt  }
0x5b: {  	_ =	shalt  }
0x5c: {  	_ =	shalt  }
0x5d: {  	_ =	shalt  }
0x5e: {  	_ =	shalt  }
0x5f: {  	_ =	shalt  }
0x60: {  	_ =	shalt  }
0x61: {  	_ =	shalt  }
0x62: {  	_ =	shalt  }
0x63: {  	_ =	shalt  }
0x64: {  	_ =	shalt  }
0x65: {  	_ =	shalt  }
0x66: {  	_ =	shalt  }
0x67: {  	_ =	shalt  }
0x68: {  	_ =	shalt  }
0x69: {  	_ =	shalt  }
0x6a: {  	_ =	shalt  }
0x6b: {  	_ =	shalt  }
0x6c: {  	_ =	shalt  }
0x6d: {  	_ =	shalt  }
0x6e: {  	_ =	shalt  }
0x6f: {  	_ =	shalt  }
0x70: {  	_ =	shalt  }
0x71: {  	_ =	shalt  }
0x72: {  	_ =	shalt  }
0x73: {  	_ =	shalt  }
0x74: {  	_ =	shalt  }
0x75: {  	_ =	shalt  }
0x76: {  	_ =	shalt  }
0x77: {  	_ =	shalt  }
0x78: {  	_ =	shalt  }
0x79: {  	_ =	shalt  }
0x7a: {  	_ =	shalt  }
0x7b: {  	_ =	shalt  }
0x7c: {  	_ =	shalt  }
0x7d: {  	_ =	shalt  }
0x7e: {  	_ =	shalt  }
0x7f: {  	_ =	shalt  }
0x80: {  	_ =	shalt  }
0x81: {  	_ =	shalt  }
0x82: {  	_ =	shalt  }
0x83: {  	_ =	shalt  }
0x84: {  	_ =	shalt  }
0x85: {  	_ =	shalt  }
0x86: {  	_ =	shalt  }
0x87: {  	_ =	shalt  }
.Lfunc_end0:
.L_simem_size_0:
called_computation_lowered:
.L_overlay_start_0:
0x88: {  	s2 =	sld [smem:$0x3FD9]  }
0x89: {  	s3 =	sld [smem:$0x3FFE];
	_ =	sdelay $0x1  }
0x8a: {  	s1 =	srdreg.scid  }
0x8b: {  	s0 =	sand.u32 $0x1, s1  }
0x8c: {  	s16 =	sshll.u32 s0, $0xA;
	s2 =	sadd.s32 s3, s2  }
0x8d: {  	s2 =	sadd.s32 s2, s16  }
0x8e: {  	[smem:$0x3FC0] =	sst s2  }
0x8f: {  	_ = 	snop  }
0x90: {  	(tm) =	ssettm $0x1  }
0x91: {  	s17 =	sld [smem:$0x3FFB];
	_ =	sdelay $0x3  }
0x92: {  	_ =	strace s17  }
0x93: {  	s2 =	sld [smem:$0x3FFC];
	_ =	sdelay $0x3  }
0x94: {  	_ =	strace s2  }
0x95: {  	s2 =	sld [smem:$0x3FFD];
	_ =	sdelay $0x3  }
0x96: {  	_ =	strace s2  }
0x97: {  	_ =	strace $0x8FFFFFFF  }
0x98: {  	s18 =	sld [smem:$0x3FDB];
	_ =	sdelay $0x1  }
0x99: {  	s19 =	simm.s32 $_scs_section_size  }
0x9a: {  	s4 =	simm.s32 $_size__tile_overlayer_lowered;
	s5 =	simm.s32 $_tile_overlayer_lowered  }
0x9b: {  	s22 =	simm.s32 $0x1BFF;
	s21 =	sshll.u32 s5, $0x1;
	s2 =	sadd.s32 s19, s18  }
0x9c: {  	s6 =	simm.s32 $0x0;
	s20 =	sshll.u32 s4, $0x1;
	s4 =	sadd.s32 s21, s2  }
0x9d: {  	[timem:s6], [sflag:s22] =	dma.local [hbm:s4], s20  }
0x9e: {  	_ =	swait.ge [sflag:s22], s20  }
0x9f: {  	s3 =	ssub.s32 $0x0, s20;
	[sflag:s22] =	ssyncset.done $0x0  }
0xa0: {  	[sflag:s22] =	ssyncadd.s32 s3;
	_ =	sdelay $0x1  }
0xa1: {  	s23 =	simm.s32 $0x1B8B  }
0xa2: {  	_ =	swait.ge [sflag:s23], $0x1  }
0xa3: {  	[sflag:s23] =	ssyncset.done $0x0  }
0xa4: {  	s25 =	simm.s32 $0x1B8E;
	s24 =	sld [smem:$0x3FFE];
	[sflag:s23] =	ssyncadd.s32 $0xFFFFFFFF  }
0xa5: {  	s26 =	simm.s32 $execute0_lowered;
	[smem:$0x3FD2] =	sst s25  }
0xa6: {  	s4 =	sshll.u32 s26, $0x1;
	_ =	strace $0x80000046;
	[dreg:$0x1] =	wrdreg $0xFFFFFFFF  }
0xa7: {  	s28 =	simm.s32 $_size_execute0_lowered;
	s2 =	sadd.s32 s2, s4;
	[dreg:$0x0] =	wrdreg $0x0  }
0xa8: {  	s4 =	sshll.u32 s28, $0x1;
	[dreg:$0x2] =	wrdreg s2  }
0xa9: {  	[dreg:$0x3] =	wrdreg s4  }
0xaa: {  	[dreg:$0x4] =	wrdreg $0xC0  }
0xab: {  	_ =	task [dreg:s6], $0x5FFFF  }
0xac: {  	[dreg:$0x1] =	wrdreg $0xFFFFFFFF  }
0xad: {  	[dreg:$0x0] =	wrdreg $0x60  }
0xae: {  	[dreg:$0x2] =	wrdreg s24  }
0xaf: {  	[dreg:$0x3] =	wrdreg $0x9  }
0xb0: {  	_ =	task.clear_ibuf [dreg:s6], $0x4FFFF;
	_ =	strace $0x90000046  }
0xb1: {  	s29 =	simm.s32 $0x9;
	_ =	strace $0x80000048  }
0xb2: {  	_ =	swait.ge [sflag:s29], $0x1  }
0xb3: {  	[sflag:s29] =	ssyncadd.s32 $0xFFFFFFFF  }
0xb4: {  	_ =	strace $0x90000048  }
0xb5: {  	_ =	sfence  }
0xb6: {  	s30 =	sld [smem:$0x0];
	_ =	sdelay $0x2  }
0xb7: {  	s31 =	sshll.u32 s1, $0xD;
	s1 =	sshrl.u32 s1, $0x2  }
0xb8: {  	s3 =	sand.u32 $0x4000, s31;
	s1 =	sadd.s32 s1, s30  }
0xb9: {  	s0 =	sor.u32 s3, s0;
	s1 =	sshll.u32 s1, $0x11  }
0xba: {  	s0 =	sor.u32 s1, s0  }
0xbb: {  	s0 =	sadd.s32 $0x8F2B, s0  }
0xbc: {  	[sflag:s0] =	ssyncadd.remote.s32 $0x1  }
0xbd: {  	_ =	sfence.sel $0xFFFF  }
0xbe: {  	[dreg:$0x0] =	wrdreg $0xFFFFFFFF;
	(pc) =	sbr.abs _section_cstart, $3  }
0xbf: {  	[dreg:$0x1] =	wrdreg $0xFFFFFFFF  }
0xc0: {  	_ =	task.clear_ibuf [dreg:s6], $0x2FFFF;
	_ =	strace $0x9FFFFFFF  }
0xc1: {  	(tm) =	ssettm $0x7FFFFFFF  }
tec
execute0_lowered:
.L_overlay_start_1:
0x0: {  	(tag) =	ssettag $0x1  }
0x1: {  	s3 =	rddreg [dreg:$0x0]  }
0x2: {  	s0 =	rddreg [dreg:$0x1]  }
0x3: {  	s1 =	stileid.u32;
	s2 =	simm.s32 $0x0;
	s4 =	srdreg.scid  }
0x4: {  	s9 =	simm.s32 $0x1400;
	s10 =	simm.s32 $0x0;
	s5 =	sshrl.u32 s1, $0x2  }
0x5: {  	s4 =	sand.u32 $0x1, s4;
	s6 =	sshll.u32 s1, $0x8;
	[smem:$0x7FF] =	sst s2  }
0x6: {  	s7 =	smul.u32 $0xA000, s5;
	s8 =	sshll.u32 s4, $0x7;
	s6 =	sand.u32 $0x300, s6  }
0x7: {  	s5 =	smul.u32 $0x14000, s5;
	s4 =	ssub.s32 $0x2, s4;
	s6 =	sor.u32 s8, s6  }
0x8: {  	_ =	strace $0x80000047;
	s30 =	sshrl.u32 s4, $0x1;
	s7 =	sor.u32 s7, s6  }
0x9: {  	s8 =	simm.s32 $0x1;
	s5 =	sor.u32 s5, s6;
	s29 =	sshrl.u32 s7, $0x3  }
0xa: {  	s31 =	ssub.s32 s4, s30;
	s5 =	sshrl.u32 s5, $0x3;
	s6 =	sadd.s32 s29, s3  }
0xb: {  	s7 =	simm.s32 $0x400;
	s5 =	sadd.s32 s5, s3;
	s3 =	sadd.s32 $0x6C00, s6  }
0xc: {  	v0 =	vimm.f32 $0.0e+00;
	v1 =	vimm.f32 $1.000000000e+00;
	s4 =	sadd.s32 $0xBC00, s5;
	s5 =	smax.u32 s31, $0x1;
	s6 =	simm.s32 $0x80  }
.LBB2_1:
0xd: {  	[tilespmem:s2], [sflag:$0x1] =	stream.strided.gather [hbm4b:s3+s6], $0x1400, s7, s6, $0x38;
	[tilespmem:$0x3C00] =	vst v63  }
0xe: {  	_ =	swait.ge [sflag:s8], $0x1400  }
0xf: {  	[sflag:s8] =	ssyncset.done $0x0  }
0x10: {  	s11 =	simm.s32 $0x0;
	[sflag:s8] =	ssyncadd.s32 $0xFFFFEC00  }
.LBB2_2:
0x11: {  	p0 =	sne.s32 s11, $0x9FC0  }
.Ltmp0:
0x12: {  	_ = 	snop;
	(pc) =	sbr.rel @p0 .LBB2_2-.Ltmp0, $3  }
0x13: {  	_ =	sdelay $0x1  }
0x14: {  	s12 =	sshra.s32 s11, $0x2  }
0x15: {  	s11 =	sadd.s32 $0x40, s11;
	[tilespmem:s12+$0x1400] =	vst v0  }
0x16: {  	s12 =	simm.s32 $0x0;
	s11 =	simm.s32 $0x40  }
.LBB2_4:
0x17: {  	p0 =	sne.s32 s11, $0x4FC0;
	v2 =	vld [tilespmem:s12+$0x0];
	_ =	sdelay $0x3  }
.Ltmp1:
0x18: {  	(pc) =	sbr.rel @p0 .LBB2_4-.Ltmp1, $2  }
0x19: {  	_ =	sdelay $0x2  }
0x1a: {  	s12 =	sshra.s32 s11, $0x2;
	s11 =	sadd.s32 $0x40, s11;
	[tilespmem:v2+s9+$0x0] =	vst.idx.add.f32.msk $0xffff, v1  }
0x1b: {  	v2 =	vld [tilespmem:s12+$0x0];
	_ =	sdelay $0x5  }
0x1c: {  	s10 =	sadd.s32 $0x1, s10  }
0x1d: {  	p0 =	sne.s32 s10, s5  }
.Ltmp2:
0x1e: {  	[tilespmem:v2+s9+$0x0] =	vst.idx.add.f32.msk $0xffff, v1;
	(pc) =	sbr.rel @p0 .LBB2_1-.Ltmp2, $4  }
0x1f: {  	[hbm4b:s4+s6] =	stream.strided.scatter [tilespmem:s9], [sflag:$0x1], $0x2800, s7, s6, $0x38;
	[tilespmem:$0x3C00] =	vst v63  }
0x20: {  	_ =	swait.ge [sflag:s8], $0x2800  }
0x21: {  	[sflag:s8] =	ssyncset.done $0x0  }
0x22: {  	[sflag:s8] =	ssyncadd.s32 $0xFFFFD800  }
0x23: {  	_ =	sfence.sel $0x180000  }
0x24: {  	[bflag:$0x0] =	sbarrier.arrive $0xFFFF  }
0x25: {  	p0 =	sne.s32 s1, $0x0;
	_ =	strace $0x90000047  }
0x26: {  	s0 =	sadd.s32 @!p0 $0x100000, s0;
	[bflag:$0x2] =	sbarrier.arrive $0xFFFF  }
0x27: {  	[sflag:s0] =	ssyncadd.tile.s32 @!p0 $0x1;
	_ =	shalt  }
.Lfunc_end2:
_tile_overlayer_lowered:
.L_overlay_start_2:
0x28: {  	(tag) =	ssettag $0x2  }
0x29: {  	s0 =	rddreg [dreg:$0x0];
	s2 =	stileid.u32  }
0x2a: {  	s1 =	rddreg [dreg:$0x1];
	p0 =	sne.s32 s2, $0x0  }
0x2b: {  	s3 =	rddreg [dreg:$0x2];
	[bflag:$0x3] =	sbarrier.arrive $0xFFFF;
	s2 =	simm.s32 @!p0 $0x1C01  }
0x2c: {  	[timem:s3], [sflag:s2] =	dma.local @!p0 [hbm:s0], s1  }
0x2d: {  	s0 =	simm.s32 @!p0 $0x1  }
0x2e: {  	_ =	swait.ge @!p0 [sflag:s0], s1  }
0x2f: {  	s1 =	ssub.s32 @!p0 $0x0, s1;
	[sflag:s0] =	ssyncset.done @!p0 $0x0  }
0x30: {  	[sflag:s0] =	ssyncadd.s32 @!p0 s1  }
0x31: {  	[bflag:$0x3] =	sbarrier.arrive $0xFFFF  }
0x32: {  	_ =	shalt  }

</sc_bundles>
